<compile_context>
chip_gen: v7x
topology: tpu7x:2x2x1
jax: 0.10.2.dev20260603
libtpu: 0.0.44.dev20260713+nightly
codegen_flags: <defaults>
</compile_context>

<pallas_src>
import functools

import jax
import jax.numpy as jnp
from jax import lax
from jax.experimental import pallas as pl
from jax.experimental.pallas import tpu as pltpu
from jax.experimental.pallas import tpu_sc as plsc

B = 16384
D = 128
N_DEP = 144
N_SID = 1015
NC, NS, L = 2, 16, 16
NW = NC * NS
BPW = B // NW
CH = 128
NCHUNK = BPW // CH


def _proj_body(dep_ref, sid_ref, eid_ref, w_ref, t1_ref, t2_ref, t3_ref):
    t1_ref[...] = jnp.dot(dep_ref[...], w_ref[0:256, :],
                          preferred_element_type=jnp.float32)
    t2_ref[...] = jnp.dot(sid_ref[...], w_ref[256:512, :],
                          preferred_element_type=jnp.float32)
    t3_ref[...] = jnp.dot(eid_ref[...], w_ref[512:768, :],
                          preferred_element_type=jnp.float32)


_mesh = plsc.VectorSubcoreMesh(core_axis_name="c", subcore_axis_name="s",
                               num_cores=NC, num_subcores=NS)


@functools.partial(
    pl.kernel,
    out_type=jax.ShapeDtypeStruct((B, D), jnp.float32),
    mesh=_mesh,
    scratch_types=[
        pltpu.VMEM_SHARED((N_DEP, D), jnp.float32),
        pltpu.VMEM_SHARED((N_SID, D), jnp.float32),
        pltpu.VMEM_SHARED((N_SID, D), jnp.float32),
        pltpu.VMEM((BPW,), jnp.float32),
        pltpu.VMEM((BPW,), jnp.float32),
        pltpu.VMEM((BPW,), jnp.float32),
        pltpu.VMEM((BPW,), jnp.int32),
        pltpu.VMEM((BPW,), jnp.int32),
        pltpu.VMEM((BPW,), jnp.int32),
        pltpu.VMEM((CH, D), jnp.float32),
        pltpu.VMEM((CH, D), jnp.float32),
        pltpu.VMEM((CH, D), jnp.float32),
        pltpu.VMEM((CH, D), jnp.float32),
        pltpu.SemaphoreType.DMA,
        pltpu.SemaphoreType.DMA,
        pltpu.SemaphoreType.DMA,
        pltpu.SemaphoreType.DMA,
        pltpu.SemaphoreType.DMA,
        pltpu.SemaphoreType.DMA,
        pltpu.SemaphoreType.DMA,
        pltpu.SemaphoreType.DMA,
        pltpu.SemaphoreType.DMA,
    ],
)
def _gather_sum(t1_hbm, t2_hbm, t3_hbm, at_hbm, g_hbm,
                ts1, ts2, ts3,
                col_d, col_s, col_e, idx_d, idx_s, idx_e,
                u0, u1, u2, u3, sst, gs0, gs1, gs2, gs3,
                ws0, ws1, ws2, ws3):
    cid = lax.axis_index("c")
    sid = lax.axis_index("s")
    wid = sid * NC + cid
    base = wid * BPW

    @pl.when(sid == 0)
    def _stage():
        pltpu.async_copy(t1_hbm, ts1, sst)
        pltpu.async_copy(t2_hbm, ts2, sst)
        c3 = pltpu.async_copy(t3_hbm, ts3, sst)
        del c3

    pltpu.sync_copy(at_hbm.at[pl.ds(0 * B + base, BPW)], col_d)
    pltpu.sync_copy(at_hbm.at[pl.ds(3 * B + base, BPW)], col_s)
    pltpu.sync_copy(at_hbm.at[pl.ds(4 * B + base, BPW)], col_e)

    def build(i, carry):
        sl = pl.ds(i * L, L)
        idx_d[sl] = col_d[sl].astype(jnp.int32)
        idx_s[sl] = col_s[sl].astype(jnp.int32)
        idx_e[sl] = col_e[sl].astype(jnp.int32)
        return carry

    lax.fori_loop(0, BPW // L, build, 0)

    @pl.when(sid == 0)
    def _stage_wait():
        pltpu.make_async_copy(t1_hbm, ts1, sst).wait()
        pltpu.make_async_copy(t2_hbm, ts2, sst).wait()
        pltpu.make_async_copy(t3_hbm, ts3, sst).wait()

    plsc.subcore_barrier()

    bufs = (u0, u1, u2, u3)
    gsems = (gs0, gs1, gs2, gs3)
    wsems = (ws0, ws1, ws2, ws3)

    def fire1(t):
        cb = t * CH
        return pltpu.async_copy(ts1.at[idx_d.at[pl.ds(cb, CH)]], bufs[t],
                                gsems[t])

    def fire23(t):
        cb = t * CH
        return (pltpu.async_copy(ts2.at[idx_s.at[pl.ds(cb, CH)]], bufs[t],
                                 gsems[t], add=True),
                pltpu.async_copy(ts3.at[idx_e.at[pl.ds(cb, CH)]], bufs[t],
                                 gsems[t], add=True))

    pend1 = [fire1(t) for t in range(NCHUNK)]
    pend23 = []
    wb = []
    for t in range(NCHUNK):
        pend1[t].wait()
        pend23.append(fire23(t))
    for t in range(NCHUNK):
        for c in pend23[t]:
            c.wait()
        wb.append(pltpu.async_copy(bufs[t],
                                   g_hbm.at[pl.ds(base + t * CH, CH), :],
                                   wsems[t]))
    for c in wb:
        c.wait()


def _final_body(g_ref, cont_ref, fc1b_ref, fc2w_ref, ww_ref, fc2b_ref,
                wb_ref, o_ref):
    h = jnp.maximum(g_ref[...] + fc1b_ref[...], 0.0)
    o_ref[...] = (jnp.dot(h, fc2w_ref[...], preferred_element_type=jnp.float32)
                  + jnp.dot(cont_ref[...], ww_ref[...],
                            preferred_element_type=jnp.float32)
                  + fc2b_ref[...] + wb_ref[...])


BLK = 8192


def kernel(attr, wide_W, wide_b, dep_table, sid_table, eid_table,
           fc1_W, fc1_b, fc2_W, fc2_b):
    t1, t2, t3 = pl.pallas_call(
        _proj_body,
        out_shape=[jax.ShapeDtypeStruct((N_DEP, D), jnp.float32),
                   jax.ShapeDtypeStruct((N_SID, D), jnp.float32),
                   jax.ShapeDtypeStruct((N_SID, D), jnp.float32)],
    )(dep_table, sid_table, eid_table, fc1_W)

    attr_t = attr.T.reshape(-1)
    g = _gather_sum(t1, t2, t3, attr_t)

    cont = attr[:, 1:3]
    out = pl.pallas_call(
        _final_body,
        grid=(B // BLK,),
        in_specs=[
            pl.BlockSpec((BLK, D), lambda i: (i, 0)),
            pl.BlockSpec((BLK, 2), lambda i: (i, 0)),
            pl.BlockSpec((1, D), lambda i: (0, 0)),
            pl.BlockSpec((D, D), lambda i: (0, 0)),
            pl.BlockSpec((2, D), lambda i: (0, 0)),
            pl.BlockSpec((1, D), lambda i: (0, 0)),
            pl.BlockSpec((1, D), lambda i: (0, 0)),
        ],
        out_specs=pl.BlockSpec((BLK, D), lambda i: (i, 0)),
        out_shape=jax.ShapeDtypeStruct((B, D), jnp.float32),
    )(g, cont, fc1_b.reshape(1, D), fc2_W, wide_W, fc2_b.reshape(1, D),
      wide_b.reshape(1, D))
    return out

# --- scband reference (transcript-rebuilt; emitter-appended) ---
"""Pipeline reference for scband-attr-block-49864570307182 (READ-ONLY COPY).

The authoritative reference and input builder live on the scoring server;
editing this copy changes nothing except your own understanding.
"""

import jax, jax.numpy as jnp
import numpy as np

B = 16384
EMBED_DIM = 128
HIDDEN_DIM = 256


def setup_inputs(seed: int = 0) -> dict:
    key = jax.random.key(seed)
    ks = jax.random.split(key, 12)
    # attr: float tensor; columns 0,3,4 are cast to int indices inside forward.
    # randint in [0,144) keeps all index columns in-range for every table
    # (144 for departure, 1015 for sid/eid).
    attr = jax.random.randint(ks[0], (B, 5), 0, 144).astype(jnp.float32)
    def lin(k, fan_in, fan_out):
        bound = 1.0 / np.sqrt(fan_in)
        kw, kb = jax.random.split(k)
        W = jax.random.uniform(kw, (fan_in, fan_out), minval=-bound, maxval=bound, dtype=jnp.float32)
        b = jax.random.uniform(kb, (fan_out,), minval=-bound, maxval=bound, dtype=jnp.float32)
        return W, b
    wide_W, wide_b = lin(ks[1], 2, EMBED_DIM)
    dep_table = jax.random.normal(ks[2], (144, HIDDEN_DIM), dtype=jnp.float32)
    sid_table = jax.random.normal(ks[3], (1015, HIDDEN_DIM), dtype=jnp.float32)
    eid_table = jax.random.normal(ks[4], (1015, HIDDEN_DIM), dtype=jnp.float32)
    fc1_W, fc1_b = lin(ks[5], HIDDEN_DIM * 3, EMBED_DIM)
    fc2_W, fc2_b = lin(ks[6], EMBED_DIM, EMBED_DIM)
    return {
        "attr": attr,
        "wide_W": wide_W, "wide_b": wide_b,
        "dep_table": dep_table, "sid_table": sid_table, "eid_table": eid_table,
        "fc1_W": fc1_W, "fc1_b": fc1_b,
        "fc2_W": fc2_W, "fc2_b": fc2_b,
    }


def reference(attr, wide_W, wide_b, dep_table, sid_table, eid_table, fc1_W, fc1_b, fc2_W, fc2_b):
    continuous_attrs = attr[:, 1:3]
    depature = attr[:, 0].astype(jnp.int32)
    sid = attr[:, 3].astype(jnp.int32)
    eid = attr[:, 4].astype(jnp.int32)
    wide_out = continuous_attrs @ wide_W + wide_b
    depature_embed = jnp.take(dep_table, depature, axis=0)
    sid_embed = jnp.take(sid_table, sid, axis=0)
    eid_embed = jnp.take(eid_table, eid, axis=0)
    categorical_embed = jnp.concatenate((depature_embed, sid_embed, eid_embed), axis=1)
    deep_out = jax.nn.relu(categorical_embed @ fc1_W + fc1_b)
    deep_out = deep_out @ fc2_W + fc2_b
    combined_embed = wide_out + deep_out
    return combined_embed

if __name__ == "__main__":
    import jax
    _d = setup_inputs()
    print(jax.jit(kernel)(*tuple(_d.values())))

</pallas_src>

<mosaic_0001>
#map = affine_map<(d0, d1) -> (0, 0)>
#map1 = affine_map<(d0, d1) -> (0)>
module attributes {stable_mosaic.version = 14 : i64} {
  func.func @_gather_sum(%arg0: i32, %arg1: i32, %arg2: memref<144x128xf32, #tpu.memory_space<hbm>>, %arg3: memref<1015x128xf32, #tpu.memory_space<hbm>>, %arg4: memref<1015x128xf32, #tpu.memory_space<hbm>>, %arg5: memref<81920xf32, #tpu.memory_space<hbm>>, %arg6: memref<16384x128xf32, #tpu.memory_space<hbm>>, %arg7: memref<144x128xf32, #tpu.memory_space<vmem_shared>>, %arg8: memref<1015x128xf32, #tpu.memory_space<vmem_shared>>, %arg9: memref<1015x128xf32, #tpu.memory_space<vmem_shared>>, %arg10: memref<512xf32, #tpu.memory_space<vmem>>, %arg11: memref<512xf32, #tpu.memory_space<vmem>>, %arg12: memref<512xf32, #tpu.memory_space<vmem>>, %arg13: memref<512xi32, #tpu.memory_space<vmem>>, %arg14: memref<512xi32, #tpu.memory_space<vmem>>, %arg15: memref<512xi32, #tpu.memory_space<vmem>>, %arg16: memref<128x128xf32, #tpu.memory_space<vmem>>, %arg17: memref<128x128xf32, #tpu.memory_space<vmem>>, %arg18: memref<128x128xf32, #tpu.memory_space<vmem>>, %arg19: memref<128x128xf32, #tpu.memory_space<vmem>>, %arg20: memref<!tpu.dma_semaphore, #tpu.memory_space<semaphore_mem>>, %arg21: memref<!tpu.dma_semaphore, #tpu.memory_space<semaphore_mem>>, %arg22: memref<!tpu.dma_semaphore, #tpu.memory_space<semaphore_mem>>, %arg23: memref<!tpu.dma_semaphore, #tpu.memory_space<semaphore_mem>>, %arg24: memref<!tpu.dma_semaphore, #tpu.memory_space<semaphore_mem>>, %arg25: memref<!tpu.dma_semaphore, #tpu.memory_space<semaphore_mem>>, %arg26: memref<!tpu.dma_semaphore, #tpu.memory_space<semaphore_mem>>, %arg27: memref<!tpu.dma_semaphore, #tpu.memory_space<semaphore_mem>>, %arg28: memref<!tpu.dma_semaphore, #tpu.memory_space<semaphore_mem>>) attributes {dimension_semantics = [#tpu.dimension_semantics<core_parallel>, #tpu.dimension_semantics<subcore_parallel>], iteration_bounds = array<i64: 2, 16>, scalar_prefetch = 0 : i64, scratch_operands = 22 : i64, tpu.core_type = #tpu.core_type<sc_vector_subcore>, window_params = [{transform_indices = #map}, {transform_indices = #map}, {transform_indices = #map}, {transform_indices = #map1}, {transform_indices = #map}]} {
    %mul3A = arith.constant 2 : i32
    %mul3A_0 = arith.muli %arg1, %mul3A : i32
    %add3A = arith.addi %mul3A_0, %arg0 : i32
    %mul3A_1 = arith.constant 512 : i32
    %mul3A_2 = arith.muli %add3A, %mul3A_1 : i32
    %eq3A = arith.constant 0 : i32
    %eq3A_3 = arith.cmpi eq, %arg1, %eq3A : i32
    %convert_element_type3A = arith.extui %eq3A_3 : i1 to i32
    %cond3A = arith.constant 0 : i32
    %cond3A_4 = arith.cmpi ne, %convert_element_type3A, %cond3A : i32
    scf.if %cond3A_4 {
      tpu.enqueue_dma source(%arg2 : memref<144x128xf32, #tpu.memory_space<hbm>>) target(%arg7 : memref<144x128xf32, #tpu.memory_space<vmem_shared>>) target_semaphore(%arg20 : memref<!tpu.dma_semaphore, #tpu.memory_space<semaphore_mem>>)
      tpu.enqueue_dma source(%arg3 : memref<1015x128xf32, #tpu.memory_space<hbm>>) target(%arg8 : memref<1015x128xf32, #tpu.memory_space<vmem_shared>>) target_semaphore(%arg20 : memref<!tpu.dma_semaphore, #tpu.memory_space<semaphore_mem>>)
      tpu.enqueue_dma source(%arg4 : memref<1015x128xf32, #tpu.memory_space<hbm>>) target(%arg9 : memref<1015x128xf32, #tpu.memory_space<vmem_shared>>) target_semaphore(%arg20 : memref<!tpu.dma_semaphore, #tpu.memory_space<semaphore_mem>>)
    } else {
    }
    %add3A_5 = arith.constant 0 : i32
    %add3A_6 = arith.addi %add3A_5, %mul3A_2 : i32
    "tpu.region"() ({
      %run_scoped3A = tpu.sem_alloc : memref<!tpu.dma_semaphore, #tpu.memory_space<semaphore_mem>>
      %dma_start3A_179 = tpu.memref_slice %arg5[%add3A_6] : memref<81920xf32, #tpu.memory_space<hbm>> -> memref<512xf32, #tpu.memory_space<hbm>>
      %dma_start3A_180 = tpu.memref_slice %arg5[%add3A_6] : memref<81920xf32, #tpu.memory_space<hbm>> -> memref<512xf32, #tpu.memory_space<hbm>>
      tpu.enqueue_dma source(%dma_start3A_180 : memref<512xf32, #tpu.memory_space<hbm>>) target(%arg10 : memref<512xf32, #tpu.memory_space<vmem>>) target_semaphore(%run_scoped3A : memref<!tpu.dma_semaphore, #tpu.memory_space<semaphore_mem>>)
      %dma_wait3A_181 = tpu.memref_slice %arg5[%add3A_6] : memref<81920xf32, #tpu.memory_space<hbm>> -> memref<512xf32, #tpu.memory_space<hbm>>
      %dma_wait3A_182 = tpu.memref_slice %arg5[%add3A_6] : memref<81920xf32, #tpu.memory_space<hbm>> -> memref<512xf32, #tpu.memory_space<hbm>>
      tpu.wait_dma2 semaphore(%run_scoped3A : memref<!tpu.dma_semaphore, #tpu.memory_space<semaphore_mem>>) src(%dma_wait3A_182 : memref<512xf32, #tpu.memory_space<hbm>>) dst(%arg10 : memref<512xf32, #tpu.memory_space<vmem>>)
      tpu.yield
    }) : () -> ()
    %add3A_7 = arith.constant 49152 : i32
    %add3A_8 = arith.addi %add3A_7, %mul3A_2 : i32
    "tpu.region"() ({
      %run_scoped3A = tpu.sem_alloc : memref<!tpu.dma_semaphore, #tpu.memory_space<semaphore_mem>>
      %dma_start3A_179 = tpu.memref_slice %arg5[%add3A_8] : memref<81920xf32, #tpu.memory_space<hbm>> -> memref<512xf32, #tpu.memory_space<hbm>>
      %dma_start3A_180 = tpu.memref_slice %arg5[%add3A_8] : memref<81920xf32, #tpu.memory_space<hbm>> -> memref<512xf32, #tpu.memory_space<hbm>>
      tpu.enqueue_dma source(%dma_start3A_180 : memref<512xf32, #tpu.memory_space<hbm>>) target(%arg11 : memref<512xf32, #tpu.memory_space<vmem>>) target_semaphore(%run_scoped3A : memref<!tpu.dma_semaphore, #tpu.memory_space<semaphore_mem>>)
      %dma_wait3A_181 = tpu.memref_slice %arg5[%add3A_8] : memref<81920xf32, #tpu.memory_space<hbm>> -> memref<512xf32, #tpu.memory_space<hbm>>
      %dma_wait3A_182 = tpu.memref_slice %arg5[%add3A_8] : memref<81920xf32, #tpu.memory_space<hbm>> -> memref<512xf32, #tpu.memory_space<hbm>>
      tpu.wait_dma2 semaphore(%run_scoped3A : memref<!tpu.dma_semaphore, #tpu.memory_space<semaphore_mem>>) src(%dma_wait3A_182 : memref<512xf32, #tpu.memory_space<hbm>>) dst(%arg11 : memref<512xf32, #tpu.memory_space<vmem>>)
      tpu.yield
    }) : () -> ()
    %add3A_9 = arith.constant 65536 : i32
    %add3A_10 = arith.addi %add3A_9, %mul3A_2 : i32
    "tpu.region"() ({
      %run_scoped3A = tpu.sem_alloc : memref<!tpu.dma_semaphore, #tpu.memory_space<semaphore_mem>>
      %dma_start3A_179 = tpu.memref_slice %arg5[%add3A_10] : memref<81920xf32, #tpu.memory_space<hbm>> -> memref<512xf32, #tpu.memory_space<hbm>>
      %dma_start3A_180 = tpu.memref_slice %arg5[%add3A_10] : memref<81920xf32, #tpu.memory_space<hbm>> -> memref<512xf32, #tpu.memory_space<hbm>>
      tpu.enqueue_dma source(%dma_start3A_180 : memref<512xf32, #tpu.memory_space<hbm>>) target(%arg12 : memref<512xf32, #tpu.memory_space<vmem>>) target_semaphore(%run_scoped3A : memref<!tpu.dma_semaphore, #tpu.memory_space<semaphore_mem>>)
      %dma_wait3A_181 = tpu.memref_slice %arg5[%add3A_10] : memref<81920xf32, #tpu.memory_space<hbm>> -> memref<512xf32, #tpu.memory_space<hbm>>
      %dma_wait3A_182 = tpu.memref_slice %arg5[%add3A_10] : memref<81920xf32, #tpu.memory_space<hbm>> -> memref<512xf32, #tpu.memory_space<hbm>>
      tpu.wait_dma2 semaphore(%run_scoped3A : memref<!tpu.dma_semaphore, #tpu.memory_space<semaphore_mem>>) src(%dma_wait3A_182 : memref<512xf32, #tpu.memory_space<hbm>>) dst(%arg12 : memref<512xf32, #tpu.memory_space<vmem>>)
      tpu.yield
    }) : () -> ()
    %scan3A = arith.constant 0 : i32
    %scan3A_11 = arith.constant 0 : i32
    %scan3A_12 = arith.constant 32 : i32
    %scan3A_13 = arith.addi %scan3A_11, %scan3A_12 : i32
    %scan3A_14 = arith.constant 1 : i32
    scf.for %scan3A_179 = %scan3A_11 to %scan3A_13 step %scan3A_14  : i32 {
      %mul3A_180 = arith.constant 16 : i32
      %mul3A_181 = arith.muli %scan3A_179, %mul3A_180 : i32
      %get3A = arith.index_cast %mul3A_181 : i32 to index
      %get3A_182 = tpu.vector_load %arg10[%get3A] {strides = array<i32>} : memref<512xf32, #tpu.memory_space<vmem>>, vector<16xf32>,
      %get3A_183 = vector.shape_cast %get3A_182 : vector<16xf32> to vector<16xf32>
      %convert_element_type3A_184 = arith.fptosi %get3A_183 : vector<16xf32> to vector<16xi32>
      %swap3A = arith.index_cast %mul3A_181 : i32 to index
      %swap3A_185 = tpu.vector_load %arg13[%swap3A] {strides = array<i32>} : memref<512xi32, #tpu.memory_space<vmem>>, vector<16xi32>,
      %swap3A_186 = vector.shape_cast %swap3A_185 : vector<16xi32> to vector<16xi32>
      %swap3A_187 = vector.shape_cast %convert_element_type3A_184 : vector<16xi32> to vector<16xi32>
      tpu.vector_store %arg13[%swap3A], %swap3A_187 {strides = array<i32>} : memref<512xi32, #tpu.memory_space<vmem>>, vector<16xi32>,
      %get3A_188 = arith.index_cast %mul3A_181 : i32 to index
      %get3A_189 = tpu.vector_load %arg11[%get3A_188] {strides = array<i32>} : memref<512xf32, #tpu.memory_space<vmem>>, vector<16xf32>,
      %get3A_190 = vector.shape_cast %get3A_189 : vector<16xf32> to vector<16xf32>
      %convert_element_type3A_191 = arith.fptosi %get3A_190 : vector<16xf32> to vector<16xi32>
      %swap3A_192 = arith.index_cast %mul3A_181 : i32 to index
      %swap3A_193 = tpu.vector_load %arg14[%swap3A_192] {strides = array<i32>} : memref<512xi32, #tpu.memory_space<vmem>>, vector<16xi32>,
      %swap3A_194 = vector.shape_cast %swap3A_193 : vector<16xi32> to vector<16xi32>
      %swap3A_195 = vector.shape_cast %convert_element_type3A_191 : vector<16xi32> to vector<16xi32>
      tpu.vector_store %arg14[%swap3A_192], %swap3A_195 {strides = array<i32>} : memref<512xi32, #tpu.memory_space<vmem>>, vector<16xi32>,
      %get3A_196 = arith.index_cast %mul3A_181 : i32 to index
      %get3A_197 = tpu.vector_load %arg12[%get3A_196] {strides = array<i32>} : memref<512xf32, #tpu.memory_space<vmem>>, vector<16xf32>,
      %get3A_198 = vector.shape_cast %get3A_197 : vector<16xf32> to vector<16xf32>
      %convert_element_type3A_199 = arith.fptosi %get3A_198 : vector<16xf32> to vector<16xi32>
      %swap3A_200 = arith.index_cast %mul3A_181 : i32 to index
      %swap3A_201 = tpu.vector_load %arg15[%swap3A_200] {strides = array<i32>} : memref<512xi32, #tpu.memory_space<vmem>>, vector<16xi32>,
      %swap3A_202 = vector.shape_cast %swap3A_201 : vector<16xi32> to vector<16xi32>
      %swap3A_203 = vector.shape_cast %convert_element_type3A_199 : vector<16xi32> to vector<16xi32>
      tpu.vector_store %arg15[%swap3A_200], %swap3A_203 {strides = array<i32>} : memref<512xi32, #tpu.memory_space<vmem>>, vector<16xi32>,
    }
    %scan3A_15 = arith.constant 32 : i32
    %eq3A_16 = arith.constant 0 : i32
    %eq3A_17 = arith.cmpi eq, %arg1, %eq3A_16 : i32
    %convert_element_type3A_18 = arith.extui %eq3A_17 : i1 to i32
    %cond3A_19 = arith.constant 0 : i32
    %cond3A_20 = arith.cmpi ne, %convert_element_type3A_18, %cond3A_19 : i32
    scf.if %cond3A_20 {
      tpu.wait_dma2 semaphore(%arg20 : memref<!tpu.dma_semaphore, #tpu.memory_space<semaphore_mem>>) src(%arg2 : memref<144x128xf32, #tpu.memory_space<hbm>>) dst(%arg7 : memref<144x128xf32, #tpu.memory_space<vmem_shared>>)
      tpu.wait_dma2 semaphore(%arg20 : memref<!tpu.dma_semaphore, #tpu.memory_space<semaphore_mem>>) src(%arg3 : memref<1015x128xf32, #tpu.memory_space<hbm>>) dst(%arg8 : memref<1015x128xf32, #tpu.memory_space<vmem_shared>>)
      tpu.wait_dma2 semaphore(%arg20 : memref<!tpu.dma_semaphore, #tpu.memory_space<semaphore_mem>>) src(%arg4 : memref<1015x128xf32, #tpu.memory_space<hbm>>) dst(%arg9 : memref<1015x128xf32, #tpu.memory_space<vmem_shared>>)
    } else {
    }
    %barrier3A = arith.constant 0 : index
    tpu.barrier barrier_id(%barrier3A)
    %dma_start3A = arith.constant 0 : i32
    %dma_start3A_21 = tpu.memref_slice %arg13[%dma_start3A] : memref<512xi32, #tpu.memory_space<vmem>> -> memref<128xi32, #tpu.memory_space<vmem>>
    %dma_start3A_22 = arith.constant 0 : i32
    %dma_start3A_23 = arith.constant 0 : i32
    %dma_start3A_24 = tpu.memref_slice %arg7[%dma_start3A_22, %dma_start3A_23] : memref<144x128xf32, #tpu.memory_space<vmem_shared>> -> memref<144x128xf32, #tpu.memory_space<vmem_shared>>
    tpu.enqueue_indirect_dma source(%dma_start3A_24 : memref<144x128xf32, #tpu.memory_space<vmem_shared>>) target(%arg16 : memref<128x128xf32, #tpu.memory_space<vmem>>) offsets(%dma_start3A_21 : memref<128xi32, #tpu.memory_space<vmem>>) semaphore(%arg21 : memref<!tpu.dma_semaphore, #tpu.memory_space<semaphore_mem>>)
    %dma_start3A_25 = arith.constant 128 : i32
    %dma_start3A_26 = tpu.memref_slice %arg13[%dma_start3A_25] : memref<512xi32, #tpu.memory_space<vmem>> -> memref<128xi32, #tpu.memory_space<vmem>>
    %dma_start3A_27 = arith.constant 0 : i32
    %dma_start3A_28 = arith.constant 0 : i32
    %dma_start3A_29 = tpu.memref_slice %arg7[%dma_start3A_27, %dma_start3A_28] : memref<144x128xf32, #tpu.memory_space<vmem_shared>> -> memref<144x128xf32, #tpu.memory_space<vmem_shared>>
    tpu.enqueue_indirect_dma source(%dma_start3A_29 : memref<144x128xf32, #tpu.memory_space<vmem_shared>>) target(%arg17 : memref<128x128xf32, #tpu.memory_space<vmem>>) offsets(%dma_start3A_26 : memref<128xi32, #tpu.memory_space<vmem>>) semaphore(%arg22 : memref<!tpu.dma_semaphore, #tpu.memory_space<semaphore_mem>>)
    %dma_start3A_30 = arith.constant 256 : i32
    %dma_start3A_31 = tpu.memref_slice %arg13[%dma_start3A_30] : memref<512xi32, #tpu.memory_space<vmem>> -> memref<128xi32, #tpu.memory_space<vmem>>
    %dma_start3A_32 = arith.constant 0 : i32
    %dma_start3A_33 = arith.constant 0 : i32
    %dma_start3A_34 = tpu.memref_slice %arg7[%dma_start3A_32, %dma_start3A_33] : memref<144x128xf32, #tpu.memory_space<vmem_shared>> -> memref<144x128xf32, #tpu.memory_space<vmem_shared>>
    tpu.enqueue_indirect_dma source(%dma_start3A_34 : memref<144x128xf32, #tpu.memory_space<vmem_shared>>) target(%arg18 : memref<128x128xf32, #tpu.memory_space<vmem>>) offsets(%dma_start3A_31 : memref<128xi32, #tpu.memory_space<vmem>>) semaphore(%arg23 : memref<!tpu.dma_semaphore, #tpu.memory_space<semaphore_mem>>)
    %dma_start3A_35 = arith.constant 384 : i32
    %dma_start3A_36 = tpu.memref_slice %arg13[%dma_start3A_35] : memref<512xi32, #tpu.memory_space<vmem>> -> memref<128xi32, #tpu.memory_space<vmem>>
    %dma_start3A_37 = arith.constant 0 : i32
    %dma_start3A_38 = arith.constant 0 : i32
    %dma_start3A_39 = tpu.memref_slice %arg7[%dma_start3A_37, %dma_start3A_38] : memref<144x128xf32, #tpu.memory_space<vmem_shared>> -> memref<144x128xf32, #tpu.memory_space<vmem_shared>>
    tpu.enqueue_indirect_dma source(%dma_start3A_39 : memref<144x128xf32, #tpu.memory_space<vmem_shared>>) target(%arg19 : memref<128x128xf32, #tpu.memory_space<vmem>>) offsets(%dma_start3A_36 : memref<128xi32, #tpu.memory_space<vmem>>) semaphore(%arg24 : memref<!tpu.dma_semaphore, #tpu.memory_space<semaphore_mem>>)
    %dma_wait3A = arith.constant 0 : i32
    %dma_wait3A_40 = tpu.memref_slice %arg13[%dma_wait3A] : memref<512xi32, #tpu.memory_space<vmem>> -> memref<128xi32, #tpu.memory_space<vmem>>
    %dma_wait3A_41 = arith.constant 0 : i32
    %dma_wait3A_42 = arith.constant 0 : i32
    %dma_wait3A_43 = tpu.memref_slice %arg7[%dma_wait3A_41, %dma_wait3A_42] : memref<144x128xf32, #tpu.memory_space<vmem_shared>> -> memref<144x128xf32, #tpu.memory_space<vmem_shared>>
    tpu.wait_indirect_dma semaphore(%arg21 : memref<!tpu.dma_semaphore, #tpu.memory_space<semaphore_mem>>) src(%dma_wait3A_43 : memref<144x128xf32, #tpu.memory_space<vmem_shared>>) dst(%arg16 : memref<128x128xf32, #tpu.memory_space<vmem>>)
    %dma_start3A_44 = arith.constant 0 : i32
    %dma_start3A_45 = tpu.memref_slice %arg14[%dma_start3A_44] : memref<512xi32, #tpu.memory_space<vmem>> -> memref<128xi32, #tpu.memory_space<vmem>>
    %dma_start3A_46 = arith.constant 0 : i32
    %dma_start3A_47 = arith.constant 0 : i32
    %dma_start3A_48 = tpu.memref_slice %arg8[%dma_start3A_46, %dma_start3A_47] : memref<1015x128xf32, #tpu.memory_space<vmem_shared>> -> memref<1015x128xf32, #tpu.memory_space<vmem_shared>>
    tpu.enqueue_indirect_dma source(%dma_start3A_48 : memref<1015x128xf32, #tpu.memory_space<vmem_shared>>) target(%arg16 : memref<128x128xf32, #tpu.memory_space<vmem>>) offsets(%dma_start3A_45 : memref<128xi32, #tpu.memory_space<vmem>>) semaphore(%arg21 : memref<!tpu.dma_semaphore, #tpu.memory_space<semaphore_mem>>) {add = true}
    %dma_start3A_49 = arith.constant 0 : i32
    %dma_start3A_50 = tpu.memref_slice %arg15[%dma_start3A_49] : memref<512xi32, #tpu.memory_space<vmem>> -> memref<128xi32, #tpu.memory_space<vmem>>
    %dma_start3A_51 = arith.constant 0 : i32
    %dma_start3A_52 = arith.constant 0 : i32
    %dma_start3A_53 = tpu.memref_slice %arg9[%dma_start3A_51, %dma_start3A_52] : memref<1015x128xf32, #tpu.memory_space<vmem_shared>> -> memref<1015x128xf32, #tpu.memory_space<vmem_shared>>
    tpu.enqueue_indirect_dma source(%dma_start3A_53 : memref<1015x128xf32, #tpu.memory_space<vmem_shared>>) target(%arg16 : memref<128x128xf32, #tpu.memory_space<vmem>>) offsets(%dma_start3A_50 : memref<128xi32, #tpu.memory_space<vmem>>) semaphore(%arg21 : memref<!tpu.dma_semaphore, #tpu.memory_space<semaphore_mem>>) {add = true}
    %dma_wait3A_54 = arith.constant 128 : i32
    %dma_wait3A_55 = tpu.memref_slice %arg13[%dma_wait3A_54] : memref<512xi32, #tpu.memory_space<vmem>> -> memref<128xi32, #tpu.memory_space<vmem>>
    %dma_wait3A_56 = arith.constant 0 : i32
    %dma_wait3A_57 = arith.constant 0 : i32
    %dma_wait3A_58 = tpu.memref_slice %arg7[%dma_wait3A_56, %dma_wait3A_57] : memref<144x128xf32, #tpu.memory_space<vmem_shared>> -> memref<144x128xf32, #tpu.memory_space<vmem_shared>>
    tpu.wait_indirect_dma semaphore(%arg22 : memref<!tpu.dma_semaphore, #tpu.memory_space<semaphore_mem>>) src(%dma_wait3A_58 : memref<144x128xf32, #tpu.memory_space<vmem_shared>>) dst(%arg17 : memref<128x128xf32, #tpu.memory_space<vmem>>)
    %dma_start3A_59 = arith.constant 128 : i32
    %dma_start3A_60 = tpu.memref_slice %arg14[%dma_start3A_59] : memref<512xi32, #tpu.memory_space<vmem>> -> memref<128xi32, #tpu.memory_space<vmem>>
    %dma_start3A_61 = arith.constant 0 : i32
    %dma_start3A_62 = arith.constant 0 : i32
    %dma_start3A_63 = tpu.memref_slice %arg8[%dma_start3A_61, %dma_start3A_62] : memref<1015x128xf32, #tpu.memory_space<vmem_shared>> -> memref<1015x128xf32, #tpu.memory_space<vmem_shared>>
    tpu.enqueue_indirect_dma source(%dma_start3A_63 : memref<1015x128xf32, #tpu.memory_space<vmem_shared>>) target(%arg17 : memref<128x128xf32, #tpu.memory_space<vmem>>) offsets(%dma_start3A_60 : memref<128xi32, #tpu.memory_space<vmem>>) semaphore(%arg22 : memref<!tpu.dma_semaphore, #tpu.memory_space<semaphore_mem>>) {add = true}
    %dma_start3A_64 = arith.constant 128 : i32
    %dma_start3A_65 = tpu.memref_slice %arg15[%dma_start3A_64] : memref<512xi32, #tpu.memory_space<vmem>> -> memref<128xi32, #tpu.memory_space<vmem>>
    %dma_start3A_66 = arith.constant 0 : i32
    %dma_start3A_67 = arith.constant 0 : i32
    %dma_start3A_68 = tpu.memref_slice %arg9[%dma_start3A_66, %dma_start3A_67] : memref<1015x128xf32, #tpu.memory_space<vmem_shared>> -> memref<1015x128xf32, #tpu.memory_space<vmem_shared>>
    tpu.enqueue_indirect_dma source(%dma_start3A_68 : memref<1015x128xf32, #tpu.memory_space<vmem_shared>>) target(%arg17 : memref<128x128xf32, #tpu.memory_space<vmem>>) offsets(%dma_start3A_65 : memref<128xi32, #tpu.memory_space<vmem>>) semaphore(%arg22 : memref<!tpu.dma_semaphore, #tpu.memory_space<semaphore_mem>>) {add = true}
    %dma_wait3A_69 = arith.constant 256 : i32
    %dma_wait3A_70 = tpu.memref_slice %arg13[%dma_wait3A_69] : memref<512xi32, #tpu.memory_space<vmem>> -> memref<128xi32, #tpu.memory_space<vmem>>
    %dma_wait3A_71 = arith.constant 0 : i32
    %dma_wait3A_72 = arith.constant 0 : i32
    %dma_wait3A_73 = tpu.memref_slice %arg7[%dma_wait3A_71, %dma_wait3A_72] : memref<144x128xf32, #tpu.memory_space<vmem_shared>> -> memref<144x128xf32, #tpu.memory_space<vmem_shared>>
    tpu.wait_indirect_dma semaphore(%arg23 : memref<!tpu.dma_semaphore, #tpu.memory_space<semaphore_mem>>) src(%dma_wait3A_73 : memref<144x128xf32, #tpu.memory_space<vmem_shared>>) dst(%arg18 : memref<128x128xf32, #tpu.memory_space<vmem>>)
    %dma_start3A_74 = arith.constant 256 : i32
    %dma_start3A_75 = tpu.memref_slice %arg14[%dma_start3A_74] : memref<512xi32, #tpu.memory_space<vmem>> -> memref<128xi32, #tpu.memory_space<vmem>>
    %dma_start3A_76 = arith.constant 0 : i32
    %dma_start3A_77 = arith.constant 0 : i32
    %dma_start3A_78 = tpu.memref_slice %arg8[%dma_start3A_76, %dma_start3A_77] : memref<1015x128xf32, #tpu.memory_space<vmem_shared>> -> memref<1015x128xf32, #tpu.memory_space<vmem_shared>>
    tpu.enqueue_indirect_dma source(%dma_start3A_78 : memref<1015x128xf32, #tpu.memory_space<vmem_shared>>) target(%arg18 : memref<128x128xf32, #tpu.memory_space<vmem>>) offsets(%dma_start3A_75 : memref<128xi32, #tpu.memory_space<vmem>>) semaphore(%arg23 : memref<!tpu.dma_semaphore, #tpu.memory_space<semaphore_mem>>) {add = true}
    %dma_start3A_79 = arith.constant 256 : i32
    %dma_start3A_80 = tpu.memref_slice %arg15[%dma_start3A_79] : memref<512xi32, #tpu.memory_space<vmem>> -> memref<128xi32, #tpu.memory_space<vmem>>
    %dma_start3A_81 = arith.constant 0 : i32
    %dma_start3A_82 = arith.constant 0 : i32
    %dma_start3A_83 = tpu.memref_slice %arg9[%dma_start3A_81, %dma_start3A_82] : memref<1015x128xf32, #tpu.memory_space<vmem_shared>> -> memref<1015x128xf32, #tpu.memory_space<vmem_shared>>
    tpu.enqueue_indirect_dma source(%dma_start3A_83 : memref<1015x128xf32, #tpu.memory_space<vmem_shared>>) target(%arg18 : memref<128x128xf32, #tpu.memory_space<vmem>>) offsets(%dma_start3A_80 : memref<128xi32, #tpu.memory_space<vmem>>) semaphore(%arg23 : memref<!tpu.dma_semaphore, #tpu.memory_space<semaphore_mem>>) {add = true}
    %dma_wait3A_84 = arith.constant 384 : i32
    %dma_wait3A_85 = tpu.memref_slice %arg13[%dma_wait3A_84] : memref<512xi32, #tpu.memory_space<vmem>> -> memref<128xi32, #tpu.memory_space<vmem>>
    %dma_wait3A_86 = arith.constant 0 : i32
    %dma_wait3A_87 = arith.constant 0 : i32
    %dma_wait3A_88 = tpu.memref_slice %arg7[%dma_wait3A_86, %dma_wait3A_87] : memref<144x128xf32, #tpu.memory_space<vmem_shared>> -> memref<144x128xf32, #tpu.memory_space<vmem_shared>>
    tpu.wait_indirect_dma semaphore(%arg24 : memref<!tpu.dma_semaphore, #tpu.memory_space<semaphore_mem>>) src(%dma_wait3A_88 : memref<144x128xf32, #tpu.memory_space<vmem_shared>>) dst(%arg19 : memref<128x128xf32, #tpu.memory_space<vmem>>)
    %dma_start3A_89 = arith.constant 384 : i32
    %dma_start3A_90 = tpu.memref_slice %arg14[%dma_start3A_89] : memref<512xi32, #tpu.memory_space<vmem>> -> memref<128xi32, #tpu.memory_space<vmem>>
    %dma_start3A_91 = arith.constant 0 : i32
    %dma_start3A_92 = arith.constant 0 : i32
    %dma_start3A_93 = tpu.memref_slice %arg8[%dma_start3A_91, %dma_start3A_92] : memref<1015x128xf32, #tpu.memory_space<vmem_shared>> -> memref<1015x128xf32, #tpu.memory_space<vmem_shared>>
    tpu.enqueue_indirect_dma source(%dma_start3A_93 : memref<1015x128xf32, #tpu.memory_space<vmem_shared>>) target(%arg19 : memref<128x128xf32, #tpu.memory_space<vmem>>) offsets(%dma_start3A_90 : memref<128xi32, #tpu.memory_space<vmem>>) semaphore(%arg24 : memref<!tpu.dma_semaphore, #tpu.memory_space<semaphore_mem>>) {add = true}
    %dma_start3A_94 = arith.constant 384 : i32
    %dma_start3A_95 = tpu.memref_slice %arg15[%dma_start3A_94] : memref<512xi32, #tpu.memory_space<vmem>> -> memref<128xi32, #tpu.memory_space<vmem>>
    %dma_start3A_96 = arith.constant 0 : i32
    %dma_start3A_97 = arith.constant 0 : i32
    %dma_start3A_98 = tpu.memref_slice %arg9[%dma_start3A_96, %dma_start3A_97] : memref<1015x128xf32, #tpu.memory_space<vmem_shared>> -> memref<1015x128xf32, #tpu.memory_space<vmem_shared>>
    tpu.enqueue_indirect_dma source(%dma_start3A_98 : memref<1015x128xf32, #tpu.memory_space<vmem_shared>>) target(%arg19 : memref<128x128xf32, #tpu.memory_space<vmem>>) offsets(%dma_start3A_95 : memref<128xi32, #tpu.memory_space<vmem>>) semaphore(%arg24 : memref<!tpu.dma_semaphore, #tpu.memory_space<semaphore_mem>>) {add = true}
    %dma_wait3A_99 = arith.constant 0 : i32
    %dma_wait3A_100 = tpu.memref_slice %arg14[%dma_wait3A_99] : memref<512xi32, #tpu.memory_space<vmem>> -> memref<128xi32, #tpu.memory_space<vmem>>
    %dma_wait3A_101 = arith.constant 0 : i32
    %dma_wait3A_102 = arith.constant 0 : i32
    %dma_wait3A_103 = tpu.memref_slice %arg8[%dma_wait3A_101, %dma_wait3A_102] : memref<1015x128xf32, #tpu.memory_space<vmem_shared>> -> memref<1015x128xf32, #tpu.memory_space<vmem_shared>>
    tpu.wait_indirect_dma semaphore(%arg21 : memref<!tpu.dma_semaphore, #tpu.memory_space<semaphore_mem>>) src(%dma_wait3A_103 : memref<1015x128xf32, #tpu.memory_space<vmem_shared>>) dst(%arg16 : memref<128x128xf32, #tpu.memory_space<vmem>>)
    %dma_wait3A_104 = arith.constant 0 : i32
    %dma_wait3A_105 = tpu.memref_slice %arg15[%dma_wait3A_104] : memref<512xi32, #tpu.memory_space<vmem>> -> memref<128xi32, #tpu.memory_space<vmem>>
    %dma_wait3A_106 = arith.constant 0 : i32
    %dma_wait3A_107 = arith.constant 0 : i32
    %dma_wait3A_108 = tpu.memref_slice %arg9[%dma_wait3A_106, %dma_wait3A_107] : memref<1015x128xf32, #tpu.memory_space<vmem_shared>> -> memref<1015x128xf32, #tpu.memory_space<vmem_shared>>
    tpu.wait_indirect_dma semaphore(%arg21 : memref<!tpu.dma_semaphore, #tpu.memory_space<semaphore_mem>>) src(%dma_wait3A_108 : memref<1015x128xf32, #tpu.memory_space<vmem_shared>>) dst(%arg16 : memref<128x128xf32, #tpu.memory_space<vmem>>)
    %add3A_109 = arith.constant 0 : i32
    %add3A_110 = arith.addi %mul3A_2, %add3A_109 : i32
    %dma_start3A_111 = arith.constant 0 : i32
    %dma_start3A_112 = tpu.memref_slice %arg6[%add3A_110, %dma_start3A_111] : memref<16384x128xf32, #tpu.memory_space<hbm>> -> memref<128x128xf32, #tpu.memory_space<hbm>>
    %dma_start3A_113 = arith.constant 0 : i32
    %dma_start3A_114 = tpu.memref_slice %arg6[%add3A_110, %dma_start3A_113] : memref<16384x128xf32, #tpu.memory_space<hbm>> -> memref<128x128xf32, #tpu.memory_space<hbm>>
    tpu.enqueue_dma source(%arg16 : memref<128x128xf32, #tpu.memory_space<vmem>>) target(%dma_start3A_114 : memref<128x128xf32, #tpu.memory_space<hbm>>) target_semaphore(%arg25 : memref<!tpu.dma_semaphore, #tpu.memory_space<semaphore_mem>>)
    %dma_wait3A_115 = arith.constant 128 : i32
    %dma_wait3A_116 = tpu.memref_slice %arg14[%dma_wait3A_115] : memref<512xi32, #tpu.memory_space<vmem>> -> memref<128xi32, #tpu.memory_space<vmem>>
    %dma_wait3A_117 = arith.constant 0 : i32
    %dma_wait3A_118 = arith.constant 0 : i32
    %dma_wait3A_119 = tpu.memref_slice %arg8[%dma_wait3A_117, %dma_wait3A_118] : memref<1015x128xf32, #tpu.memory_space<vmem_shared>> -> memref<1015x128xf32, #tpu.memory_space<vmem_shared>>
    tpu.wait_indirect_dma semaphore(%arg22 : memref<!tpu.dma_semaphore, #tpu.memory_space<semaphore_mem>>) src(%dma_wait3A_119 : memref<1015x128xf32, #tpu.memory_space<vmem_shared>>) dst(%arg17 : memref<128x128xf32, #tpu.memory_space<vmem>>)
    %dma_wait3A_120 = arith.constant 128 : i32
    %dma_wait3A_121 = tpu.memref_slice %arg15[%dma_wait3A_120] : memref<512xi32, #tpu.memory_space<vmem>> -> memref<128xi32, #tpu.memory_space<vmem>>
    %dma_wait3A_122 = arith.constant 0 : i32
    %dma_wait3A_123 = arith.constant 0 : i32
    %dma_wait3A_124 = tpu.memref_slice %arg9[%dma_wait3A_122, %dma_wait3A_123] : memref<1015x128xf32, #tpu.memory_space<vmem_shared>> -> memref<1015x128xf32, #tpu.memory_space<vmem_shared>>
    tpu.wait_indirect_dma semaphore(%arg22 : memref<!tpu.dma_semaphore, #tpu.memory_space<semaphore_mem>>) src(%dma_wait3A_124 : memref<1015x128xf32, #tpu.memory_space<vmem_shared>>) dst(%arg17 : memref<128x128xf32, #tpu.memory_space<vmem>>)
    %add3A_125 = arith.constant 128 : i32
    %add3A_126 = arith.addi %mul3A_2, %add3A_125 : i32
    %dma_start3A_127 = arith.constant 0 : i32
    %dma_start3A_128 = tpu.memref_slice %arg6[%add3A_126, %dma_start3A_127] : memref<16384x128xf32, #tpu.memory_space<hbm>> -> memref<128x128xf32, #tpu.memory_space<hbm>>
    %dma_start3A_129 = arith.constant 0 : i32
    %dma_start3A_130 = tpu.memref_slice %arg6[%add3A_126, %dma_start3A_129] : memref<16384x128xf32, #tpu.memory_space<hbm>> -> memref<128x128xf32, #tpu.memory_space<hbm>>
    tpu.enqueue_dma source(%arg17 : memref<128x128xf32, #tpu.memory_space<vmem>>) target(%dma_start3A_130 : memref<128x128xf32, #tpu.memory_space<hbm>>) target_semaphore(%arg26 : memref<!tpu.dma_semaphore, #tpu.memory_space<semaphore_mem>>)
    %dma_wait3A_131 = arith.constant 256 : i32
    %dma_wait3A_132 = tpu.memref_slice %arg14[%dma_wait3A_131] : memref<512xi32, #tpu.memory_space<vmem>> -> memref<128xi32, #tpu.memory_space<vmem>>
    %dma_wait3A_133 = arith.constant 0 : i32
    %dma_wait3A_134 = arith.constant 0 : i32
    %dma_wait3A_135 = tpu.memref_slice %arg8[%dma_wait3A_133, %dma_wait3A_134] : memref<1015x128xf32, #tpu.memory_space<vmem_shared>> -> memref<1015x128xf32, #tpu.memory_space<vmem_shared>>
    tpu.wait_indirect_dma semaphore(%arg23 : memref<!tpu.dma_semaphore, #tpu.memory_space<semaphore_mem>>) src(%dma_wait3A_135 : memref<1015x128xf32, #tpu.memory_space<vmem_shared>>) dst(%arg18 : memref<128x128xf32, #tpu.memory_space<vmem>>)
    %dma_wait3A_136 = arith.constant 256 : i32
    %dma_wait3A_137 = tpu.memref_slice %arg15[%dma_wait3A_136] : memref<512xi32, #tpu.memory_space<vmem>> -> memref<128xi32, #tpu.memory_space<vmem>>
    %dma_wait3A_138 = arith.constant 0 : i32
    %dma_wait3A_139 = arith.constant 0 : i32
    %dma_wait3A_140 = tpu.memref_slice %arg9[%dma_wait3A_138, %dma_wait3A_139] : memref<1015x128xf32, #tpu.memory_space<vmem_shared>> -> memref<1015x128xf32, #tpu.memory_space<vmem_shared>>
    tpu.wait_indirect_dma semaphore(%arg23 : memref<!tpu.dma_semaphore, #tpu.memory_space<semaphore_mem>>) src(%dma_wait3A_140 : memref<1015x128xf32, #tpu.memory_space<vmem_shared>>) dst(%arg18 : memref<128x128xf32, #tpu.memory_space<vmem>>)
    %add3A_141 = arith.constant 256 : i32
    %add3A_142 = arith.addi %mul3A_2, %add3A_141 : i32
    %dma_start3A_143 = arith.constant 0 : i32
    %dma_start3A_144 = tpu.memref_slice %arg6[%add3A_142, %dma_start3A_143] : memref<16384x128xf32, #tpu.memory_space<hbm>> -> memref<128x128xf32, #tpu.memory_space<hbm>>
    %dma_start3A_145 = arith.constant 0 : i32
    %dma_start3A_146 = tpu.memref_slice %arg6[%add3A_142, %dma_start3A_145] : memref<16384x128xf32, #tpu.memory_space<hbm>> -> memref<128x128xf32, #tpu.memory_space<hbm>>
    tpu.enqueue_dma source(%arg18 : memref<128x128xf32, #tpu.memory_space<vmem>>) target(%dma_start3A_146 : memref<128x128xf32, #tpu.memory_space<hbm>>) target_semaphore(%arg27 : memref<!tpu.dma_semaphore, #tpu.memory_space<semaphore_mem>>)
    %dma_wait3A_147 = arith.constant 384 : i32
    %dma_wait3A_148 = tpu.memref_slice %arg14[%dma_wait3A_147] : memref<512xi32, #tpu.memory_space<vmem>> -> memref<128xi32, #tpu.memory_space<vmem>>
    %dma_wait3A_149 = arith.constant 0 : i32
    %dma_wait3A_150 = arith.constant 0 : i32
    %dma_wait3A_151 = tpu.memref_slice %arg8[%dma_wait3A_149, %dma_wait3A_150] : memref<1015x128xf32, #tpu.memory_space<vmem_shared>> -> memref<1015x128xf32, #tpu.memory_space<vmem_shared>>
    tpu.wait_indirect_dma semaphore(%arg24 : memref<!tpu.dma_semaphore, #tpu.memory_space<semaphore_mem>>) src(%dma_wait3A_151 : memref<1015x128xf32, #tpu.memory_space<vmem_shared>>) dst(%arg19 : memref<128x128xf32, #tpu.memory_space<vmem>>)
    %dma_wait3A_152 = arith.constant 384 : i32
    %dma_wait3A_153 = tpu.memref_slice %arg15[%dma_wait3A_152] : memref<512xi32, #tpu.memory_space<vmem>> -> memref<128xi32, #tpu.memory_space<vmem>>
    %dma_wait3A_154 = arith.constant 0 : i32
    %dma_wait3A_155 = arith.constant 0 : i32
    %dma_wait3A_156 = tpu.memref_slice %arg9[%dma_wait3A_154, %dma_wait3A_155] : memref<1015x128xf32, #tpu.memory_space<vmem_shared>> -> memref<1015x128xf32, #tpu.memory_space<vmem_shared>>
    tpu.wait_indirect_dma semaphore(%arg24 : memref<!tpu.dma_semaphore, #tpu.memory_space<semaphore_mem>>) src(%dma_wait3A_156 : memref<1015x128xf32, #tpu.memory_space<vmem_shared>>) dst(%arg19 : memref<128x128xf32, #tpu.memory_space<vmem>>)
    %add3A_157 = arith.constant 384 : i32
    %add3A_158 = arith.addi %mul3A_2, %add3A_157 : i32
    %dma_start3A_159 = arith.constant 0 : i32
    %dma_start3A_160 = tpu.memref_slice %arg6[%add3A_158, %dma_start3A_159] : memref<16384x128xf32, #tpu.memory_space<hbm>> -> memref<128x128xf32, #tpu.memory_space<hbm>>
    %dma_start3A_161 = arith.constant 0 : i32
    %dma_start3A_162 = tpu.memref_slice %arg6[%add3A_158, %dma_start3A_161] : memref<16384x128xf32, #tpu.memory_space<hbm>> -> memref<128x128xf32, #tpu.memory_space<hbm>>
    tpu.enqueue_dma source(%arg19 : memref<128x128xf32, #tpu.memory_space<vmem>>) target(%dma_start3A_162 : memref<128x128xf32, #tpu.memory_space<hbm>>) target_semaphore(%arg28 : memref<!tpu.dma_semaphore, #tpu.memory_space<semaphore_mem>>)
    %dma_wait3A_163 = arith.constant 0 : i32
    %dma_wait3A_164 = tpu.memref_slice %arg6[%add3A_110, %dma_wait3A_163] : memref<16384x128xf32, #tpu.memory_space<hbm>> -> memref<128x128xf32, #tpu.memory_space<hbm>>
    %dma_wait3A_165 = arith.constant 0 : i32
    %dma_wait3A_166 = tpu.memref_slice %arg6[%add3A_110, %dma_wait3A_165] : memref<16384x128xf32, #tpu.memory_space<hbm>> -> memref<128x128xf32, #tpu.memory_space<hbm>>
    tpu.wait_dma2 semaphore(%arg25 : memref<!tpu.dma_semaphore, #tpu.memory_space<semaphore_mem>>) src(%arg16 : memref<128x128xf32, #tpu.memory_space<vmem>>) dst(%dma_wait3A_166 : memref<128x128xf32, #tpu.memory_space<hbm>>)
    %dma_wait3A_167 = arith.constant 0 : i32
    %dma_wait3A_168 = tpu.memref_slice %arg6[%add3A_126, %dma_wait3A_167] : memref<16384x128xf32, #tpu.memory_space<hbm>> -> memref<128x128xf32, #tpu.memory_space<hbm>>
    %dma_wait3A_169 = arith.constant 0 : i32
    %dma_wait3A_170 = tpu.memref_slice %arg6[%add3A_126, %dma_wait3A_169] : memref<16384x128xf32, #tpu.memory_space<hbm>> -> memref<128x128xf32, #tpu.memory_space<hbm>>
    tpu.wait_dma2 semaphore(%arg26 : memref<!tpu.dma_semaphore, #tpu.memory_space<semaphore_mem>>) src(%arg17 : memref<128x128xf32, #tpu.memory_space<vmem>>) dst(%dma_wait3A_170 : memref<128x128xf32, #tpu.memory_space<hbm>>)
    %dma_wait3A_171 = arith.constant 0 : i32
    %dma_wait3A_172 = tpu.memref_slice %arg6[%add3A_142, %dma_wait3A_171] : memref<16384x128xf32, #tpu.memory_space<hbm>> -> memref<128x128xf32, #tpu.memory_space<hbm>>
    %dma_wait3A_173 = arith.constant 0 : i32
    %dma_wait3A_174 = tpu.memref_slice %arg6[%add3A_142, %dma_wait3A_173] : memref<16384x128xf32, #tpu.memory_space<hbm>> -> memref<128x128xf32, #tpu.memory_space<hbm>>
    tpu.wait_dma2 semaphore(%arg27 : memref<!tpu.dma_semaphore, #tpu.memory_space<semaphore_mem>>) src(%arg18 : memref<128x128xf32, #tpu.memory_space<vmem>>) dst(%dma_wait3A_174 : memref<128x128xf32, #tpu.memory_space<hbm>>)
    %dma_wait3A_175 = arith.constant 0 : i32
    %dma_wait3A_176 = tpu.memref_slice %arg6[%add3A_158, %dma_wait3A_175] : memref<16384x128xf32, #tpu.memory_space<hbm>> -> memref<128x128xf32, #tpu.memory_space<hbm>>
    %dma_wait3A_177 = arith.constant 0 : i32
    %dma_wait3A_178 = tpu.memref_slice %arg6[%add3A_158, %dma_wait3A_177] : memref<16384x128xf32, #tpu.memory_space<hbm>> -> memref<128x128xf32, #tpu.memory_space<hbm>>
    tpu.wait_dma2 semaphore(%arg28 : memref<!tpu.dma_semaphore, #tpu.memory_space<semaphore_mem>>) src(%arg19 : memref<128x128xf32, #tpu.memory_space<vmem>>) dst(%dma_wait3A_178 : memref<128x128xf32, #tpu.memory_space<hbm>>)
    return
  }
}

module attributes {stable_mosaic.version = 14 : i64} {
  func.func @_proj_body(%arg0: memref<144x256xf32, #tpu.memory_space<vmem>>, %arg1: memref<1015x256xf32, #tpu.memory_space<vmem>>, %arg2: memref<1015x256xf32, #tpu.memory_space<vmem>>, %arg3: memref<768x128xf32, #tpu.memory_space<vmem>>, %arg4: memref<144x128xf32, #tpu.memory_space<vmem>>, %arg5: memref<1015x128xf32, #tpu.memory_space<vmem>>, %arg6: memref<1015x128xf32, #tpu.memory_space<vmem>>) attributes {dimension_semantics = [], scalar_prefetch = 0 : i64, scratch_operands = 0 : i64, tpu.core_type = #tpu.core_type<tc>} {
    %get3A = arith.constant 0 : index
    %get3A_0 = arith.constant 0 : index
    %get3A_1 = vector.load %arg0[%get3A, %get3A_0] : memref<144x256xf32, #tpu.memory_space<vmem>>, vector<144x256xf32>
    %get3A_2 = arith.constant 0 : index
    %get3A_3 = arith.constant 0 : index
    %get3A_4 = vector.load %arg3[%get3A_2, %get3A_3] : memref<768x128xf32, #tpu.memory_space<vmem>>, vector<256x128xf32>
    %dot_general3A = arith.constant dense<0.000000e+00> : vector<144x128xf32>
    %dot_general3A_5 = tpu.matmul %get3A_1, %get3A_4, %dot_general3A {dimension_numbers = #tpu.dot_dimension_numbers<[1], [0], [0], [1], [0, 0, 1, 1], [], []>, transpose_lhs_hint = false} : vector<144x256xf32>, vector<256x128xf32>, vector<144x128xf32> -> vector<144x128xf32>
    %swap3A = arith.constant 0 : index
    %swap3A_6 = arith.constant 0 : index
    %swap3A_7 = vector.load %arg4[%swap3A, %swap3A_6] : memref<144x128xf32, #tpu.memory_space<vmem>>, vector<144x128xf32>
    tpu.vector_store %arg4[%swap3A, %swap3A_6], %dot_general3A_5 {strides = array<i32>} : memref<144x128xf32, #tpu.memory_space<vmem>>, vector<144x128xf32>,
    %get3A_8 = arith.constant 0 : index
    %get3A_9 = arith.constant 0 : index
    %get3A_10 = vector.load %arg1[%get3A_8, %get3A_9] : memref<1015x256xf32, #tpu.memory_space<vmem>>, vector<1015x256xf32>
    %get3A_11 = arith.constant 256 : index
    %get3A_12 = arith.constant 0 : index
    %get3A_13 = vector.load %arg3[%get3A_11, %get3A_12] : memref<768x128xf32, #tpu.memory_space<vmem>>, vector<256x128xf32>
    %dot_general3A_14 = arith.constant dense<0.000000e+00> : vector<1015x128xf32>
    %dot_general3A_15 = tpu.matmul %get3A_10, %get3A_13, %dot_general3A_14 {dimension_numbers = #tpu.dot_dimension_numbers<[1], [0], [0], [1], [0, 0, 1, 1], [], []>, transpose_lhs_hint = false} : vector<1015x256xf32>, vector<256x128xf32>, vector<1015x128xf32> -> vector<1015x128xf32>
    %swap3A_16 = arith.constant 0 : index
    %swap3A_17 = arith.constant 0 : index
    %swap3A_18 = vector.load %arg5[%swap3A_16, %swap3A_17] : memref<1015x128xf32, #tpu.memory_space<vmem>>, vector<1015x128xf32>
    tpu.vector_store %arg5[%swap3A_16, %swap3A_17], %dot_general3A_15 {strides = array<i32>} : memref<1015x128xf32, #tpu.memory_space<vmem>>, vector<1015x128xf32>,
    %get3A_19 = arith.constant 0 : index
    %get3A_20 = arith.constant 0 : index
    %get3A_21 = vector.load %arg2[%get3A_19, %get3A_20] : memref<1015x256xf32, #tpu.memory_space<vmem>>, vector<1015x256xf32>
    %get3A_22 = arith.constant 512 : index
    %get3A_23 = arith.constant 0 : index
    %get3A_24 = vector.load %arg3[%get3A_22, %get3A_23] : memref<768x128xf32, #tpu.memory_space<vmem>>, vector<256x128xf32>
    %dot_general3A_25 = arith.constant dense<0.000000e+00> : vector<1015x128xf32>
    %dot_general3A_26 = tpu.matmul %get3A_21, %get3A_24, %dot_general3A_25 {dimension_numbers = #tpu.dot_dimension_numbers<[1], [0], [0], [1], [0, 0, 1, 1], [], []>, transpose_lhs_hint = false} : vector<1015x256xf32>, vector<256x128xf32>, vector<1015x128xf32> -> vector<1015x128xf32>
    %swap3A_27 = arith.constant 0 : index
    %swap3A_28 = arith.constant 0 : index
    %swap3A_29 = vector.load %arg6[%swap3A_27, %swap3A_28] : memref<1015x128xf32, #tpu.memory_space<vmem>>, vector<1015x128xf32>
    tpu.vector_store %arg6[%swap3A_27, %swap3A_28], %dot_general3A_26 {strides = array<i32>} : memref<1015x128xf32, #tpu.memory_space<vmem>>, vector<1015x128xf32>,
    return
  }
}

module attributes {stable_mosaic.version = 14 : i64} {
  func.func @_final_body(%arg0: i32, %arg1: memref<8192x128xf32, #tpu.memory_space<vmem>>, %arg2: memref<8192x2xf32, #tpu.memory_space<vmem>>, %arg3: memref<1x128xf32, #tpu.memory_space<vmem>>, %arg4: memref<128x128xf32, #tpu.memory_space<vmem>>, %arg5: memref<2x128xf32, #tpu.memory_space<vmem>>, %arg6: memref<1x128xf32, #tpu.memory_space<vmem>>, %arg7: memref<1x128xf32, #tpu.memory_space<vmem>>, %arg8: memref<8192x128xf32, #tpu.memory_space<vmem>>) attributes {dimension_semantics = [#tpu.dimension_semantics<arbitrary>], iteration_bounds = array<i64: 2>, scalar_prefetch = 0 : i64, scratch_operands = 0 : i64, tpu.core_type = #tpu.core_type<tc>, window_params = [{transform_indices = @transform_0, window_bounds = array<i64: 8192, 128>}, {transform_indices = @transform_1, window_bounds = array<i64: 8192, 2>}, {pipeline_mode = #tpu.pipeline_mode<synchronous>, transform_indices = @transform_2, window_bounds = array<i64: 1, 128>}, {pipeline_mode = #tpu.pipeline_mode<synchronous>, transform_indices = @transform_3, window_bounds = array<i64: 128, 128>}, {pipeline_mode = #tpu.pipeline_mode<synchronous>, transform_indices = @transform_4, window_bounds = array<i64: 2, 128>}, {pipeline_mode = #tpu.pipeline_mode<synchronous>, transform_indices = @transform_5, window_bounds = array<i64: 1, 128>}, {pipeline_mode = #tpu.pipeline_mode<synchronous>, transform_indices = @transform_6, window_bounds = array<i64: 1, 128>}, {transform_indices = @transform_7, window_bounds = array<i64: 8192, 128>}]} {
    %get3A = arith.constant 0 : index
    %get3A_0 = arith.constant 0 : index
    %get3A_1 = vector.load %arg1[%get3A, %get3A_0] : memref<8192x128xf32, #tpu.memory_space<vmem>>, vector<8192x128xf32>
    %get3A_2 = arith.constant 0 : index
    %get3A_3 = arith.constant 0 : index
    %get3A_4 = vector.load %arg3[%get3A_2, %get3A_3] : memref<1x128xf32, #tpu.memory_space<vmem>>, vector<1x128xf32>
    %add3A = vector.broadcast %get3A_4 : vector<1x128xf32> to vector<8192x128xf32>
    %add3A_5 = arith.addf %get3A_1, %add3A : vector<8192x128xf32>
    %max3A = arith.constant 0.000000e+00 : f32
    %max3A_6 = vector.broadcast %max3A : f32 to vector<8192x128xf32>
    %max3A_7 = arith.maximumf %add3A_5, %max3A_6 : vector<8192x128xf32>
    %get3A_8 = arith.constant 0 : index
    %get3A_9 = arith.constant 0 : index
    %get3A_10 = vector.load %arg4[%get3A_8, %get3A_9] : memref<128x128xf32, #tpu.memory_space<vmem>>, vector<128x128xf32>
    %dot_general3A = arith.constant dense<0.000000e+00> : vector<8192x128xf32>
    %dot_general3A_11 = tpu.matmul %max3A_7, %get3A_10, %dot_general3A {dimension_numbers = #tpu.dot_dimension_numbers<[1], [0], [0], [1], [0, 0, 1, 1], [], []>, transpose_lhs_hint = false} : vector<8192x128xf32>, vector<128x128xf32>, vector<8192x128xf32> -> vector<8192x128xf32>
    %get3A_12 = arith.constant 0 : index
    %get3A_13 = arith.constant 0 : index
    %get3A_14 = vector.load %arg2[%get3A_12, %get3A_13] : memref<8192x2xf32, #tpu.memory_space<vmem>>, vector<8192x2xf32>
    %get3A_15 = arith.constant 0 : index
    %get3A_16 = arith.constant 0 : index
    %get3A_17 = vector.load %arg5[%get3A_15, %get3A_16] : memref<2x128xf32, #tpu.memory_space<vmem>>, vector<2x128xf32>
    %dot_general3A_18 = arith.constant dense<0.000000e+00> : vector<8192x128xf32>
    %dot_general3A_19 = tpu.matmul %get3A_14, %get3A_17, %dot_general3A_18 {dimension_numbers = #tpu.dot_dimension_numbers<[1], [0], [0], [1], [0, 0, 1, 1], [], []>, transpose_lhs_hint = false} : vector<8192x2xf32>, vector<2x128xf32>, vector<8192x128xf32> -> vector<8192x128xf32>
    %add3A_20 = arith.addf %dot_general3A_11, %dot_general3A_19 : vector<8192x128xf32>
    %get3A_21 = arith.constant 0 : index
    %get3A_22 = arith.constant 0 : index
    %get3A_23 = vector.load %arg6[%get3A_21, %get3A_22] : memref<1x128xf32, #tpu.memory_space<vmem>>, vector<1x128xf32>
    %add3A_24 = vector.broadcast %get3A_23 : vector<1x128xf32> to vector<8192x128xf32>
    %add3A_25 = arith.addf %add3A_20, %add3A_24 : vector<8192x128xf32>
    %get3A_26 = arith.constant 0 : index
    %get3A_27 = arith.constant 0 : index
    %get3A_28 = vector.load %arg7[%get3A_26, %get3A_27] : memref<1x128xf32, #tpu.memory_space<vmem>>, vector<1x128xf32>
    %add3A_29 = vector.broadcast %get3A_28 : vector<1x128xf32> to vector<8192x128xf32>
    %add3A_30 = arith.addf %add3A_25, %add3A_29 : vector<8192x128xf32>
    %swap3A = arith.constant 0 : index
    %swap3A_31 = arith.constant 0 : index
    %swap3A_32 = vector.load %arg8[%swap3A, %swap3A_31] : memref<8192x128xf32, #tpu.memory_space<vmem>>, vector<8192x128xf32>
    tpu.vector_store %arg8[%swap3A, %swap3A_31], %add3A_30 {strides = array<i32>} : memref<8192x128xf32, #tpu.memory_space<vmem>>, vector<8192x128xf32>,
    return
  }
  func.func @transform_0(%arg0: i32) -> (i32, i32) {
    %c0_i32 = arith.constant 0 : i32
    %c0_i32_0 = arith.constant 0 : i32
    return %arg0, %c0_i32 : i32, i32
  }
  func.func @transform_1(%arg0: i32) -> (i32, i32) {
    %c0_i32 = arith.constant 0 : i32
    %c0_i32_0 = arith.constant 0 : i32
    return %arg0, %c0_i32 : i32, i32
  }
  func.func @transform_2(%arg0: i32) -> (i32, i32) {
    %c0_i32 = arith.constant 0 : i32
    %c0_i32_0 = arith.constant 0 : i32
    %c0_i32_1 = arith.constant 0 : i32
    return %c0_i32, %c0_i32_0 : i32, i32
  }
  func.func @transform_3(%arg0: i32) -> (i32, i32) {
    %c0_i32 = arith.constant 0 : i32
    %c0_i32_0 = arith.constant 0 : i32
    %c0_i32_1 = arith.constant 0 : i32
    return %c0_i32, %c0_i32_0 : i32, i32
  }
  func.func @transform_4(%arg0: i32) -> (i32, i32) {
    %c0_i32 = arith.constant 0 : i32
    %c0_i32_0 = arith.constant 0 : i32
    %c0_i32_1 = arith.constant 0 : i32
    return %c0_i32, %c0_i32_0 : i32, i32
  }
  func.func @transform_5(%arg0: i32) -> (i32, i32) {
    %c0_i32 = arith.constant 0 : i32
    %c0_i32_0 = arith.constant 0 : i32
    %c0_i32_1 = arith.constant 0 : i32
    return %c0_i32, %c0_i32_0 : i32, i32
  }
  func.func @transform_6(%arg0: i32) -> (i32, i32) {
    %c0_i32 = arith.constant 0 : i32
    %c0_i32_0 = arith.constant 0 : i32
    %c0_i32_1 = arith.constant 0 : i32
    return %c0_i32, %c0_i32_0 : i32, i32
  }
  func.func @transform_7(%arg0: i32) -> (i32, i32) {
    %c0_i32 = arith.constant 0 : i32
    %c0_i32_0 = arith.constant 0 : i32
    return %arg0, %c0_i32 : i32, i32
  }
}

</mosaic_0001>

<sc_bundles>
// kernel: kernel.5.cloned.1.call-start
scs
__scs_entry_jumppad:
0x0: {  	(pc) =	sbr.rel $0x88, $3  }
0x1: {  	(tag) =	ssettag $0x0;
	lr =	simm.s32 $0x1  }
0x2: {  	[smem:$0x3F97] =	sst lr;
	_ =	strace $0xD0000000  }
0x3: {  	_ = 	snop  }
0x4: {  	_ = 	snop  }
0x5: {  	_ = 	snop  }
0x6: {  	_ = 	snop  }
0x7: {  	_ = 	snop  }
__scs_overlays_trampoline_lowered:
0x8: {  	[smem:$0x3FA6] =	sst s0  }
0x9: {  	[smem:$0x3FA7] =	sst s1  }
0xa: {  	[smem:$0x3FA8] =	sst s2  }
0xb: {  	[smem:$0x3FA9] =	sst s3  }
0xc: {  	[smem:$0x3FAA] =	sst s4  }
0xd: {  	[smem:$0x3FAB] =	sst s5  }
0xe: {  	[smem:$0x3FAC] =	sst s6  }
0xf: {  	[smem:$0x3FAD] =	sst s7  }
0x10: {  	[smem:$0x3FAE] =	sst s8  }
0x11: {  	[smem:$0x3FAF] =	sst s9;
	s0 =	simm.s32 @!p0 $0x0  }
0x12: {  	s1 =	sld [smem:$0x3F95];
	s0 =	simm.s32 @p0 $0x1  }
0x13: {  	[smem:$0x3FB0] =	sst s0;
	s0 =	simm.s32 @!p1 $0x0  }
0x14: {  	s2 =	sld [smem:$0x3F94];
	s0 =	simm.s32 @p1 $0x1  }
0x15: {  	[smem:$0x3FB1] =	sst s0;
	s0 =	simm.s32 @!p2 $0x0  }
0x16: {  	s3 =	sld [smem:$0x3FDB];
	s0 =	simm.s32 @p2 $0x1  }
0x17: {  	s4 =	simm.s32 $0x1BF5;
	[smem:$0x3FB3] =	sst s0  }
0x18: {  	s0 =	sld [smem:$0x3F96];
	_ =	swait.ge [sflag:s4], $0x0  }
0x19: {  	s7 =	sld [smem:$0x3F97]  }
0x1a: {  	s8 =	sadd.s32 $0xFFFFE003, lr  }
0x1b: {  	s9 =	sadd.s32 $0xFFFFFEF7, lr;
	s5 =	simm.s32 $0xFFFFFFFF;
	p2 =	slt.u32 s8, $0xFFFFF086  }
0x1c: {  	p1 =	slt.u32 s9, $0xF7A;
	s5 =	simm.s32 @!p2 $0x0  }
0x1d: {  	s5 =	simm.s32 @p1 $0x1;
	p0 =	seq.s32 s7, s2  }
0x1e: {  	s7 =	smul.u32 @!p0 $0xF7A, s2;
	p2 =	seq.s32 @!p0 s5, $0x0  }
0x1f: {  	s9 =	smul.u32 $0xF7A, s1;
	s8 =	simm.s32 @!p0 $0x1BF5;
	p2 =	por !p2, p0  }
0x20: {  	[sflag:s8] =	ssyncset.s32 @!p0 $0xFFFFF086;
	s6 =	sadd.s32 @!p0 s3, s7;
	s7 =	simm.s32 @!p0 $0x108  }
0x21: {  	s3 =	sadd.s32 s3, s9;
	s6 =	sadd.s32 @!p0 $0x88, s6;
	s7 =	simm.s32 @p2 $0x1082  }
0x22: {  	[simem:s7], [sflag:s8] =	dma.local @!p0 [hbm:s6], $0xF7A  }
0x23: {  	s9 =	sor.u32 $0xD0000000, s2;
	s6 =	simm.s32 $0x108;
	_ =	swait.ge @!p0 [sflag:s8], $0x0  }
0x24: {  	s3 =	sadd.s32 $0x88, s3;
	s6 =	simm.s32 @!p1 $0x1082;
	[sflag:s4] =	ssyncset.s32 $0xFFFFF086  }
0x25: {  	[simem:s6], [sflag:s4] =	dma.local [hbm:s3], $0xF7A  }
0x26: {  	[smem:$0x3F97] =	sst s1;
	(tag) =	ssettag s2;
	_ =	strace s9  }
0x27: {  	s1 =	sld [smem:$0x3FA7]  }
0x28: {  	s2 =	sld [smem:$0x3FA8]  }
0x29: {  	s4 =	sld [smem:$0x3FAA]  }
0x2a: {  	p0 =	seq.s32 s5, $0x0;
	s5 =	sld [smem:$0x3FAB]  }
0x2b: {  	s6 =	sld [smem:$0x3FAC]  }
0x2c: {  	s7 =	sld [smem:$0x3FAD]  }
0x2d: {  	s3 =	simm.s32 $0x108;
	s8 =	sld [smem:$0x3FAE]  }
0x2e: {  	s3 =	simm.s32 @!p0 $0x1082;
	s9 =	sld [smem:$0x3FAF]  }
0x2f: {  	lr =	sadd.s32 s0, s3;
	s0 =	sld [smem:$0x3FA6]  }
0x30: {  	s3 =	sld [smem:$0x3FA9]  }
0x31: {  	[smem:$0x3FB2] =	sst s10  }
0x32: {  	s10 =	sld [smem:$0x3FB0];
	_ =	sdelay $0x3  }
0x33: {  	p0 =	seq.s32 s10, $0x1;
	s10 =	sld [smem:$0x3FB2];
	_ =	sdelay $0x3  }
0x34: {  	[smem:$0x3FB2] =	sst s10  }
0x35: {  	s10 =	sld [smem:$0x3FB1];
	_ =	sdelay $0x3  }
0x36: {  	p1 =	seq.s32 s10, $0x1;
	s10 =	sld [smem:$0x3FB2];
	_ =	sdelay $0x3  }
0x37: {  	[smem:$0x3FB2] =	sst s10  }
0x38: {  	s10 =	sld [smem:$0x3FB3]  }
0x39: {  	_ = 	snop;
	(pc) =	sbr.ind lr, $3  }
0x3a: {  	_ = 	snop  }
0x3b: {  	_ = 	snop  }
0x3c: {  	p2 =	seq.s32 s10, $0x1;
	s10 =	sld [smem:$0x3FB2]  }
0x3d: {  	_ =	shalt  }
0x3e: {  	_ =	shalt  }
0x3f: {  	_ =	shalt  }
0x40: {  	_ =	shalt  }
0x41: {  	_ =	shalt  }
0x42: {  	_ =	shalt  }
0x43: {  	_ =	shalt  }
0x44: {  	_ =	shalt  }
0x45: {  	_ =	shalt  }
0x46: {  	_ =	shalt  }
0x47: {  	_ =	shalt  }
0x48: {  	_ =	shalt  }
0x49: {  	_ =	shalt  }
0x4a: {  	_ =	shalt  }
0x4b: {  	_ =	shalt  }
0x4c: {  	_ =	shalt  }
0x4d: {  	_ =	shalt  }
0x4e: {  	_ =	shalt  }
0x4f: {  	_ =	shalt  }
0x50: {  	_ =	shalt  }
0x51: {  	_ =	shalt  }
0x52: {  	_ =	shalt  }
0x53: {  	_ =	shalt  }
0x54: {  	_ =	shalt  }
0x55: {  	_ =	shalt  }
0x56: {  	_ =	shalt  }
0x57: {  	_ =	shalt  }
0x58: {  	_ =	shalt  }
0x59: {  	_ =	shalt  }
0x5a: {  	_ =	shalt  }
0x5b: {  	_ =	shalt  }
0x5c: {  	_ =	shalt  }
0x5d: {  	_ =	shalt  }
0x5e: {  	_ =	shalt  }
0x5f: {  	_ =	shalt  }
0x60: {  	_ =	shalt  }
0x61: {  	_ =	shalt  }
0x62: {  	_ =	shalt  }
0x63: {  	_ =	shalt  }
0x64: {  	_ =	shalt  }
0x65: {  	_ =	shalt  }
0x66: {  	_ =	shalt  }
0x67: {  	_ =	shalt  }
0x68: {  	_ =	shalt  }
0x69: {  	_ =	shalt  }
0x6a: {  	_ =	shalt  }
0x6b: {  	_ =	shalt  }
0x6c: {  	_ =	shalt  }
0x6d: {  	_ =	shalt  }
0x6e: {  	_ =	shalt  }
0x6f: {  	_ =	shalt  }
0x70: {  	_ =	shalt  }
0x71: {  	_ =	shalt  }
0x72: {  	_ =	shalt  }
0x73: {  	_ =	shalt  }
0x74: {  	_ =	shalt  }
0x75: {  	_ =	shalt  }
0x76: {  	_ =	shalt  }
0x77: {  	_ =	shalt  }
0x78: {  	_ =	shalt  }
0x79: {  	_ =	shalt  }
0x7a: {  	_ =	shalt  }
0x7b: {  	_ =	shalt  }
0x7c: {  	_ =	shalt  }
0x7d: {  	_ =	shalt  }
0x7e: {  	_ =	shalt  }
0x7f: {  	_ =	shalt  }
0x80: {  	_ =	shalt  }
0x81: {  	_ =	shalt  }
0x82: {  	_ =	shalt  }
0x83: {  	_ =	shalt  }
0x84: {  	_ =	shalt  }
0x85: {  	_ =	shalt  }
0x86: {  	_ =	shalt  }
0x87: {  	_ =	shalt  }
.Lfunc_end0:
.L_simem_size_0:
called_computation_lowered:
.L_overlay_start_0:
0x88: {  	s2 =	sld [smem:$0x3FD9]  }
0x89: {  	s3 =	sld [smem:$0x3FFE];
	_ =	sdelay $0x1  }
0x8a: {  	s1 =	srdreg.scid  }
0x8b: {  	s0 =	sand.u32 $0x1, s1  }
0x8c: {  	s17 =	sshll.u32 s0, $0xA;
	s2 =	sadd.s32 s3, s2  }
0x8d: {  	s2 =	sadd.s32 s2, s17  }
0x8e: {  	[smem:$0x3FBE] =	sst s2  }
0x8f: {  	_ = 	snop  }
0x90: {  	s2 =	sld [smem:$0x3FD0];
	(tm) =	ssettm $0x1  }
0x91: {  	s18 =	sld [smem:$0x3FFB];
	_ =	sdelay $0x3  }
0x92: {  	_ =	strace s18  }
0x93: {  	s3 =	sld [smem:$0x3FFC];
	_ =	sdelay $0x3  }
0x94: {  	_ =	strace s3  }
0x95: {  	s3 =	sld [smem:$0x3FFD];
	_ =	sdelay $0x3  }
0x96: {  	_ =	strace s3  }
0x97: {  	_ =	strace $0x8FFFFFFF  }
0x98: {  	s19 =	sld [smem:$0x3FDB];
	_ =	sdelay $0x1  }
0x99: {  	s4 =	simm.s32 $_scs_section_size  }
0x9a: {  	s5 =	simm.s32 $_size__tile_overlayer_lowered;
	s6 =	simm.s32 $_tile_overlayer_lowered  }
0x9b: {  	s22 =	simm.s32 $0x1BFF;
	s21 =	sshll.u32 s6, $0x1;
	s3 =	sadd.s32 s4, s19  }
0x9c: {  	s7 =	simm.s32 $0x0;
	s20 =	sshll.u32 s5, $0x1;
	s5 =	sadd.s32 s21, s3  }
0x9d: {  	[timem:s7], [sflag:s22] =	dma.local [hbm:s5], s20  }
0x9e: {  	_ =	swait.ge [sflag:s22], s20  }
0x9f: {  	s4 =	ssub.s32 $0x0, s20;
	[sflag:s22] =	ssyncset.done $0x0  }
0xa0: {  	[sflag:s22] =	ssyncadd.s32 s4;
	_ =	sdelay $0x1  }
0xa1: {  	s23 =	simm.s32 $0x1B8B  }
0xa2: {  	_ =	swait.ge [sflag:s23], $0x1  }
0xa3: {  	[sflag:s23] =	ssyncset.done $0x0  }
0xa4: {  	s25 =	simm.s32 $0x1B8E;
	s24 =	sld [smem:$0x3FFE];
	[sflag:s23] =	ssyncadd.s32 $0xFFFFFFFF  }
0xa5: {  	s26 =	simm.s32 $execute0_lowered;
	[smem:$0x3FD2] =	sst s25  }
0xa6: {  	s5 =	sshll.u32 s26, $0x1;
	_ =	strace $0x80000046;
	[dreg:$0x1] =	wrdreg $0xFFFFFFFF  }
0xa7: {  	s28 =	simm.s32 $_size_execute0_lowered;
	s3 =	sadd.s32 s3, s5;
	[dreg:$0x0] =	wrdreg $0x0  }
0xa8: {  	s5 =	sshll.u32 s28, $0x1;
	[dreg:$0x2] =	wrdreg s3  }
0xa9: {  	[dreg:$0x3] =	wrdreg s5  }
0xaa: {  	[dreg:$0x4] =	wrdreg $0xC0  }
0xab: {  	_ =	task [dreg:s7], $0x5FFFF  }
0xac: {  	[dreg:$0x1] =	wrdreg $0xFFFFFFFF  }
0xad: {  	[dreg:$0x0] =	wrdreg $0x60  }
0xae: {  	[dreg:$0x2] =	wrdreg s24  }
0xaf: {  	[dreg:$0x3] =	wrdreg s2  }
0xb0: {  	[dreg:$0x4] =	wrdreg $0x0  }
0xb1: {  	[dreg:$0x5] =	wrdreg $0x4800  }
0xb2: {  	[dreg:$0x6] =	wrdreg $0x24380  }
0xb3: {  	[dreg:$0x7] =	wrdreg $0x9  }
0xb4: {  	_ =	task.clear_ibuf [dreg:s7], $0x8FFFF;
	_ =	strace $0x90000046  }
0xb5: {  	s29 =	simm.s32 $0x9;
	_ =	strace $0x80000048  }
0xb6: {  	_ =	swait.ge [sflag:s29], $0x1  }
0xb7: {  	[sflag:s29] =	ssyncadd.s32 $0xFFFFFFFF  }
0xb8: {  	_ =	strace $0x90000048  }
0xb9: {  	_ =	sfence  }
0xba: {  	s30 =	sld [smem:$0x0];
	_ =	sdelay $0x2  }
0xbb: {  	s31 =	sshll.u32 s1, $0xD;
	s1 =	sshrl.u32 s1, $0x2  }
0xbc: {  	s3 =	sand.u32 $0x4000, s31;
	s1 =	sadd.s32 s1, s30  }
0xbd: {  	s0 =	sor.u32 s3, s0;
	s1 =	sshll.u32 s1, $0x11  }
0xbe: {  	s0 =	sor.u32 s1, s0  }
0xbf: {  	s0 =	sadd.s32 $0x8F2B, s0  }
0xc0: {  	[sflag:s0] =	ssyncadd.remote.s32 $0x1  }
0xc1: {  	_ =	sfence.sel $0xFFFF  }
0xc2: {  	[dreg:$0x0] =	wrdreg $0xFFFFFFFF;
	(pc) =	sbr.abs _section_cstart, $3  }
0xc3: {  	[dreg:$0x1] =	wrdreg $0xFFFFFFFF  }
0xc4: {  	_ =	task.clear_ibuf [dreg:s7], $0x2FFFF;
	_ =	strace $0x9FFFFFFF  }
0xc5: {  	(tm) =	ssettm $0x7FFFFFFF  }
tec
execute0_lowered:
.L_overlay_start_1:
0x0: {  	(tag) =	ssettag $0x1  }
0x1: {  	s0 =	rddreg [dreg:$0x0]  }
0x2: {  	s5 =	rddreg [dreg:$0x1]  }
0x3: {  	s1 =	rddreg [dreg:$0x2]  }
0x4: {  	s2 =	rddreg [dreg:$0x3]  }
0x5: {  	s3 =	rddreg [dreg:$0x4];
	s4 =	simm.s32 $0x0;
	s6 =	srdreg.scid  }
0x6: {  	s7 =	stileid.u32;
	s20 =	simm.s32 $0xA;
	s28 =	simm.s32 $0x8FF0  }
0x7: {  	s30 =	simm.s32 $0xCFF0;
	s19 =	simm.s32 $0x2;
	s31 =	simm.s32 $0x4  }
0x8: {  	s29 =	simm.s32 $0x7;
	s21 =	simm.s32 $0x8;
	[smem:$0x7FF] =	sst s4  }
0x9: {  	s6 =	sand.u32 $0x1, s6;
	s8 =	sadd.s32 $0xC800, s0;
	s22 =	sshll.u32 s7, $0xA  }
0xa: {  	s10 =	sadd.s32 $0x4800, s0;
	_ =	strace $0x80000047;
	[dreg:$0x6] =	wrdreg s8  }
0xb: {  	s23 =	sadd.s32 $0x8800, s0;
	p0 =	sne.s32 s7, $0x0;
	[dreg:$0x7] =	wrdreg s10  }
0xc: {  	s9 =	sshll.u32 s6, $0x9;
	s6 =	ssub.s32 $0x2, s6;
	[dreg:$0x8] =	wrdreg s23  }
0xd: {  	s16 =	sshrl.u32 @!p0 s1, $0x3;
	s17 =	sshrl.u32 @!p0 s2, $0x3;
	s18 =	sshrl.u32 @!p0 s3, $0x3  }
0xe: {  	s23 =	simm.s32 $0x80;
	s8 =	sor.u32 s9, s22;
	s25 =	sshrl.u32 s6, $0x1  }
0xf: {  	s22 =	simm.s32 $0x6;
	s24 =	sshrl.u32 s8, $0x3;
	s6 =	ssub.s32 s6, s25  }
0x10: {  	s8 =	sshll.u32 s8, $0x4;
	s25 =	simm.s32 $0x4FF0;
	s0 =	sadd.s32 s24, s0  }
0x11: {  	s10 =	sadd.s32 s5, s8;
	s15 =	smax.u32 s6, $0x1;
	s24 =	simm.s32 $0x3  }
0x12: {  	s5 =	simm.s32 $0x9;
	s6 =	simm.s32 $0x0;
	s9 =	sadd.s32 $0x2000, s0  }
0x13: {  	s26 =	sadd.s32 $0x3800, s0;
	s11 =	sadd.s32 $0x4000, s0;
	s12 =	sadd.s32 $0x800, s10  }
0x14: {  	s13 =	sadd.s32 $0x1000, s10;
	s14 =	sadd.s32 $0x1800, s10;
	[dreg:$0x9] =	wrdreg s9  }
0x15: {  	s0 =	simm.s32 $0x10FF0;
	[dreg:$0xa] =	wrdreg s26;
	s26 =	simm.s32 $0x5  }
.LBB2_1:
0x16: {  	s7 =	simm.s32 @!p0 $0x1C01;
	s8 =	rddreg [dreg:$0x6]  }
0x17: {  	[spmem:s16], [sflag:s7] =	dma.local @!p0 [hbm:s8], $0x900  }
0x18: {  	s8 =	rddreg [dreg:$0x7]  }
0x19: {  	[spmem:s17], [sflag:s7] =	dma.local @!p0 [hbm:s8], $0x3F70  }
0x1a: {  	s8 =	rddreg [dreg:$0x8]  }
0x1b: {  	[spmem:s18], [sflag:s7] =	dma.local @!p0 [hbm:s8], $0x3F70  }
0x1c: {  	s9 =	simm.s32 $0x43F0;
	s7 =	rddreg [dreg:$0x9]  }
0x1d: {  	[tilespmem:s9], [sflag:$0xA] =	stream.linear.gather [hbm4b:s7+s4], $0x200, $0x38;
	[tilespmem:$0x14FF0] =	vst v63  }
0x1e: {  	_ =	swait.ge [sflag:s20], $0x200  }
0x1f: {  	[sflag:s20] =	ssyncset.done $0x0  }
0x20: {  	s9 =	simm.s32 $0x45F0;
	s8 =	rddreg [dreg:$0xa];
	[sflag:s20] =	ssyncadd.s32 $0xFFFFFE00  }
0x21: {  	[tilespmem:s9], [sflag:$0xA] =	stream.linear.gather [hbm4b:s8+s4], $0x200, $0x38;
	[tilespmem:$0x14FF0] =	vst v63  }
0x22: {  	_ =	swait.ge [sflag:s20], $0x200  }
0x23: {  	[sflag:s20] =	ssyncset.done $0x0  }
0x24: {  	s9 =	simm.s32 $0x47F0;
	[sflag:s20] =	ssyncadd.s32 $0xFFFFFE00  }
0x25: {  	[tilespmem:s9], [sflag:$0xA] =	stream.linear.gather [hbm4b:s11+s4], $0x200, $0x38;
	[tilespmem:$0x14FF0] =	vst v63  }
0x26: {  	_ =	swait.ge [sflag:s20], $0x200  }
0x27: {  	[sflag:s20] =	ssyncset.done $0x0  }
0x28: {  	s7 =	simm.s32 $0x0;
	[sflag:s20] =	ssyncadd.s32 $0xFFFFFE00  }
0x29: {  	v1 =	vld [tilespmem:s7+$0x47F0]  }
0x2a: {  	v2 =	vld [tilespmem:s7+$0x43F0]  }
0x2b: {  	v0 =	vld [tilespmem:s7+$0x45F0];
	_ =	sdelay $0x1  }
0x2c: {  	s8 =	simm.s32 $0x40  }
.LBB2_2:
0x2d: {  	s9 =	sshra.s32 s8, $0x2;
	p1 =	sne.s32 s8, $0x7C0;
	s8 =	sadd.s32 $0x40, s8;
	v3 =	vtrunc.f32 v1  }
.Ltmp0:
0x2e: {  	v1 =	vld [tilespmem:s9+$0x47F0];
	v4 =	vtrunc.f32 v2;
	v3 =	vcvt.f32.s32 v3;
	(pc) =	sbr.rel @p1 .LBB2_2-.Ltmp0, $4  }
0x2f: {  	v2 =	vld [tilespmem:s9+$0x43F0];
	v4 =	vcvt.f32.s32 v4;
	v5 =	vtrunc.f32 v0  }
0x30: {  	v0 =	vld [tilespmem:s9+$0x45F0];
	v5 =	vcvt.f32.s32 v5;
	[tilespmem:s7+$0x4DF0] =	vst v3  }
0x31: {  	[tilespmem:s7+$0x49F0] =	vst v4  }
0x32: {  	[tilespmem:s7+$0x4BF0] =	vst v5;
	s7 =	smov.u32 s9  }
0x33: {  	v1 =	vtrunc.f32 v1  }
0x34: {  	v2 =	vtrunc.f32 v2;
	v1 =	vcvt.f32.s32 v1  }
0x35: {  	v2 =	vcvt.f32.s32 v2;
	v0 =	vtrunc.f32 v0  }
0x36: {  	v0 =	vcvt.f32.s32 v0;
	[tilespmem:s7+$0x4DF0] =	vst v1  }
0x37: {  	[tilespmem:s7+$0x49F0] =	vst v2  }
0x38: {  	[tilespmem:s7+$0x4BF0] =	vst v0;
	s7 =	simm.s32 @!p0 $0x1  }
0x39: {  	_ =	swait.ge @!p0 [sflag:s7], $0x900  }
0x3a: {  	[sflag:s7] =	ssyncset.done @!p0 $0x0  }
0x3b: {  	[sflag:s7] =	ssyncadd.s32 @!p0 $0xFFFFF700  }
0x3c: {  	_ =	swait.ge @!p0 [sflag:s7], $0x3F70  }
0x3d: {  	[sflag:s7] =	ssyncset.done @!p0 $0x0  }
0x3e: {  	[sflag:s7] =	ssyncadd.s32 @!p0 $0xFFFFC090  }
0x3f: {  	_ =	swait.ge @!p0 [sflag:s7], $0x3F70  }
0x40: {  	[sflag:s7] =	ssyncset.done @!p0 $0x0  }
0x41: {  	[sflag:s7] =	ssyncadd.s32 @!p0 $0xFFFFC090  }
0x42: {  	s8 =	simm.s32 $0x49F0;
	[bflag:$0x0] =	sbarrier.arrive $0xFFFF  }
0x43: {  	[tilespmem:s25], [sflag:$0x2] =	stream.indirect.gather [spmem:s1], $0x80, s8, s23, $0xb8;
	[tilespmem:$0x14FF0] =	vst v63  }
0x44: {  	s9 =	simm.s32 $0x4A70  }
0x45: {  	[tilespmem:s28], [sflag:$0x3] =	stream.indirect.gather [spmem:s1], $0x80, s9, s23, $0xb8;
	[tilespmem:$0x14FF0] =	vst v63  }
0x46: {  	s8 =	simm.s32 $0x4AF0  }
0x47: {  	[tilespmem:s30], [sflag:$0x4] =	stream.indirect.gather [spmem:s1], $0x80, s8, s23, $0xb8;
	[tilespmem:$0x14FF0] =	vst v63  }
0x48: {  	s9 =	simm.s32 $0x4B70  }
0x49: {  	[tilespmem:s0], [sflag:$0x5] =	stream.indirect.gather [spmem:s1], $0x80, s9, s23, $0xb8;
	[tilespmem:$0x14FF0] =	vst v63  }
0x4a: {  	_ =	swait.ge [sflag:s19], $0x4000  }
0x4b: {  	[sflag:s19] =	ssyncset.done $0x0  }
0x4c: {  	s8 =	simm.s32 $0x4BF0;
	[sflag:s19] =	ssyncadd.s32 $0xFFFFC000  }
0x4d: {  	[tilespmem:s25], [sflag:$0x2] =	stream.indirect.gather.add.f32 [spmem:s2], $0x80, s8, s23, $0xb8;
	[tilespmem:$0x14FF0] =	vst v63  }
0x4e: {  	s9 =	simm.s32 $0x4DF0  }
0x4f: {  	[tilespmem:s25], [sflag:$0x2] =	stream.indirect.gather.add.f32 [spmem:s3], $0x80, s9, s23, $0xb8;
	[tilespmem:$0x14FF0] =	vst v63  }
0x50: {  	_ =	swait.ge [sflag:s24], $0x4000  }
0x51: {  	[sflag:s24] =	ssyncset.done $0x0  }
0x52: {  	s8 =	simm.s32 $0x4C70;
	[sflag:s24] =	ssyncadd.s32 $0xFFFFC000  }
0x53: {  	[tilespmem:s28], [sflag:$0x3] =	stream.indirect.gather.add.f32 [spmem:s2], $0x80, s8, s23, $0xb8;
	[tilespmem:$0x14FF0] =	vst v63  }
0x54: {  	s9 =	simm.s32 $0x4E70  }
0x55: {  	[tilespmem:s28], [sflag:$0x3] =	stream.indirect.gather.add.f32 [spmem:s3], $0x80, s9, s23, $0xb8;
	[tilespmem:$0x14FF0] =	vst v63  }
0x56: {  	_ =	swait.ge [sflag:s31], $0x4000  }
0x57: {  	[sflag:s31] =	ssyncset.done $0x0  }
0x58: {  	s8 =	simm.s32 $0x4CF0;
	[sflag:s31] =	ssyncadd.s32 $0xFFFFC000  }
0x59: {  	[tilespmem:s30], [sflag:$0x4] =	stream.indirect.gather.add.f32 [spmem:s2], $0x80, s8, s23, $0xb8;
	[tilespmem:$0x14FF0] =	vst v63  }
0x5a: {  	s9 =	simm.s32 $0x4EF0  }
0x5b: {  	[tilespmem:s30], [sflag:$0x4] =	stream.indirect.gather.add.f32 [spmem:s3], $0x80, s9, s23, $0xb8;
	[tilespmem:$0x14FF0] =	vst v63  }
0x5c: {  	_ =	swait.ge [sflag:s26], $0x4000  }
0x5d: {  	[sflag:s26] =	ssyncset.done $0x0  }
0x5e: {  	s8 =	simm.s32 $0x4D70;
	[sflag:s26] =	ssyncadd.s32 $0xFFFFC000  }
0x5f: {  	[tilespmem:s0], [sflag:$0x5] =	stream.indirect.gather.add.f32 [spmem:s2], $0x80, s8, s23, $0xb8;
	[tilespmem:$0x14FF0] =	vst v63  }
0x60: {  	s9 =	simm.s32 $0x4F70  }
0x61: {  	[tilespmem:s0], [sflag:$0x5] =	stream.indirect.gather.add.f32 [spmem:s3], $0x80, s9, s23, $0xb8;
	[tilespmem:$0x14FF0] =	vst v63  }
0x62: {  	_ =	swait.ge [sflag:s19], $0x4000  }
0x63: {  	[sflag:s19] =	ssyncset.done $0x0  }
0x64: {  	[sflag:s19] =	ssyncadd.s32 $0xFFFFC000  }
0x65: {  	_ =	swait.ge [sflag:s19], $0x4000  }
0x66: {  	[sflag:s19] =	ssyncset.done $0x0  }
0x67: {  	[sflag:s19] =	ssyncadd.s32 $0xFFFFC000  }
0x68: {  	[hbm4b:s10+s4] =	stream.linear.scatter [tilespmem:s25], [sflag:$0x6], $0x4000, $0x38;
	[tilespmem:$0x14FF0] =	vst v63  }
0x69: {  	_ =	swait.ge [sflag:s24], $0x4000  }
0x6a: {  	[sflag:s24] =	ssyncset.done $0x0  }
0x6b: {  	[sflag:s24] =	ssyncadd.s32 $0xFFFFC000  }
0x6c: {  	_ =	swait.ge [sflag:s24], $0x4000  }
0x6d: {  	[sflag:s24] =	ssyncset.done $0x0  }
0x6e: {  	[sflag:s24] =	ssyncadd.s32 $0xFFFFC000  }
0x6f: {  	[hbm4b:s12+s4] =	stream.linear.scatter [tilespmem:s28], [sflag:$0x7], $0x4000, $0x38;
	[tilespmem:$0x14FF0] =	vst v63  }
0x70: {  	_ =	swait.ge [sflag:s31], $0x4000  }
0x71: {  	[sflag:s31] =	ssyncset.done $0x0  }
0x72: {  	[sflag:s31] =	ssyncadd.s32 $0xFFFFC000  }
0x73: {  	_ =	swait.ge [sflag:s31], $0x4000  }
0x74: {  	[sflag:s31] =	ssyncset.done $0x0  }
0x75: {  	[sflag:s31] =	ssyncadd.s32 $0xFFFFC000  }
0x76: {  	[hbm4b:s13+s4] =	stream.linear.scatter [tilespmem:s30], [sflag:$0x8], $0x4000, $0x38;
	[tilespmem:$0x14FF0] =	vst v63  }
0x77: {  	_ =	swait.ge [sflag:s26], $0x4000  }
0x78: {  	[sflag:s26] =	ssyncset.done $0x0  }
0x79: {  	[sflag:s26] =	ssyncadd.s32 $0xFFFFC000  }
0x7a: {  	_ =	swait.ge [sflag:s26], $0x4000  }
0x7b: {  	[sflag:s26] =	ssyncset.done $0x0  }
0x7c: {  	[sflag:s26] =	ssyncadd.s32 $0xFFFFC000  }
0x7d: {  	[hbm4b:s14+s4] =	stream.linear.scatter [tilespmem:s0], [sflag:$0x9], $0x4000, $0x38;
	[tilespmem:$0x14FF0] =	vst v63  }
0x7e: {  	_ =	swait.ge [sflag:s22], $0x4000  }
0x7f: {  	[sflag:s22] =	ssyncset.done $0x0  }
0x80: {  	[sflag:s22] =	ssyncadd.s32 $0xFFFFC000  }
0x81: {  	_ =	swait.ge [sflag:s29], $0x4000  }
0x82: {  	[sflag:s29] =	ssyncset.done $0x0  }
0x83: {  	s6 =	sadd.s32 $0x1, s6;
	[sflag:s29] =	ssyncadd.s32 $0xFFFFC000  }
0x84: {  	p1 =	sne.s32 s6, s15;
	_ =	swait.ge [sflag:s21], $0x4000  }
.Ltmp1:
0x85: {  	[sflag:s21] =	ssyncset.done $0x0;
	(pc) =	sbr.rel @p1 .LBB2_1-.Ltmp1, $4  }
0x86: {  	[sflag:s21] =	ssyncadd.s32 $0xFFFFC000  }
0x87: {  	_ =	swait.ge [sflag:s5], $0x4000  }
0x88: {  	[sflag:s5] =	ssyncset.done $0x0  }
0x89: {  	[sflag:s5] =	ssyncadd.s32 $0xFFFFC000  }
0x8a: {  	_ =	sfence.sel $0x180000  }
0x8b: {  	[bflag:$0x0] =	sbarrier.arrive $0xFFFF  }
0x8c: {  	_ =	strace $0x90000047  }
0x8d: {  	[bflag:$0x2] =	sbarrier.arrive $0xFFFF  }
0x8e: {  	s0 =	rddreg [dreg:$0x5]  }
0x8f: {  	s0 =	sadd.s32 @!p0 $0x100000, s0  }
0x90: {  	[sflag:s0] =	ssyncadd.tile.s32 @!p0 $0x1;
	_ =	shalt  }
.Lfunc_end2:
_tile_overlayer_lowered:
.L_overlay_start_2:
0x91: {  	(tag) =	ssettag $0x2  }
0x92: {  	s0 =	rddreg [dreg:$0x0];
	s2 =	stileid.u32  }
0x93: {  	s1 =	rddreg [dreg:$0x1];
	p0 =	sne.s32 s2, $0x0  }
0x94: {  	s3 =	rddreg [dreg:$0x2];
	[bflag:$0x3] =	sbarrier.arrive $0xFFFF;
	s2 =	simm.s32 @!p0 $0x1C0A  }
0x95: {  	[timem:s3], [sflag:s2] =	dma.local @!p0 [hbm:s0], s1  }
0x96: {  	s0 =	simm.s32 @!p0 $0xA  }
0x97: {  	_ =	swait.ge @!p0 [sflag:s0], s1  }
0x98: {  	s1 =	ssub.s32 @!p0 $0x0, s1;
	[sflag:s0] =	ssyncset.done @!p0 $0x0  }
0x99: {  	[sflag:s0] =	ssyncadd.s32 @!p0 s1  }
0x9a: {  	[bflag:$0x3] =	sbarrier.arrive $0xFFFF  }
0x9b: {  	_ =	shalt  }

</sc_bundles>
